<compile_context>
chip_gen: v7x
topology: tpu7x:2x2x1
jax: 0.10.2.dev20260603
libtpu: 0.0.44.dev20260713+nightly
codegen_flags: <defaults>
</compile_context>

<pallas_src>
import functools

import jax
import jax.numpy as jnp
from jax import lax
from jax.experimental import pallas as pl
from jax.experimental.pallas import tpu as pltpu
from jax.experimental.pallas import tpu_sc as plsc

MAX_LEN = 8192
D_MODEL = 768
BATCH = 4
SEQ = 8192
B_TOT = BATCH * SEQ
NW = 32
B_PER_W = B_TOT // NW
CHUNK = 64
NCHUNK = B_PER_W // CHUNK
NBUF = 2

_mesh = plsc.VectorSubcoreMesh(core_axis_name="c", subcore_axis_name="s")


@functools.partial(
    pl.kernel,
    mesh=_mesh,
    out_type=jax.ShapeDtypeStruct((BATCH, SEQ, 1, D_MODEL), jnp.float32),
    scratch_types=[
        pltpu.VMEM((NCHUNK, CHUNK), jnp.int32),
        pltpu.VMEM((NBUF, CHUNK, 1, D_MODEL), jnp.float32),
        [pltpu.SemaphoreType.DMA] * NBUF,
        [pltpu.SemaphoreType.DMA] * NBUF,
    ],
)
def _gather_rows(idx_hbm, table_hbm, out_hbm, idx_v, bufs, gsems, ssems):
    wid = lax.axis_index("s") * 2 + lax.axis_index("c")
    batch = wid // (NW // BATCH)
    seq_base = (wid % (NW // BATCH)) * B_PER_W
    pltpu.sync_copy(idx_hbm.at[wid], idx_v)

    gcop = [None] * NBUF
    scop = [None] * NBUF
    for b in range(NBUF - 1):
        gcop[b] = pltpu.async_copy(table_hbm.at[idx_v.at[b]], bufs.at[b], gsems[b])
    for c in range(NCHUNK):
        b = c % NBUF
        nc = c + NBUF - 1
        if nc < NCHUNK:
            fb = nc % NBUF
            if c > 0:
                scop[fb].wait()
            gcop[fb] = pltpu.async_copy(
                table_hbm.at[idx_v.at[nc]], bufs.at[fb], gsems[fb]
            )
        gcop[b].wait()
        scop[b] = pltpu.async_copy(
            bufs.at[b],
            out_hbm.at[batch, pl.ds(seq_base + c * CHUNK, CHUNK)],
            ssems[b],
        )
    for c in range(max(0, NCHUNK - NBUF + 1), NCHUNK):
        scop[c % NBUF].wait()


def kernel(position_ids, pe):
    idx = position_ids.reshape(NW, NCHUNK, CHUNK).astype(jnp.int32)
    return _gather_rows(idx, pe)

# --- scband reference (transcript-rebuilt; emitter-appended) ---
"""Pipeline reference for scband-fixed-positional-encoding-59373627899926 (READ-ONLY COPY).

The authoritative reference and input builder live on the scoring server;
editing this copy changes nothing except your own understanding.
"""

import math
import jax, jax.numpy as jnp
import numpy as np

MAX_LEN = 8192
D_MODEL = 768


def make_pe(max_len: int, d_model: int) -> jnp.ndarray:
    position = jnp.arange(max_len, dtype=jnp.float32)[:, None]
    div_term = jnp.exp(jnp.arange(0, d_model, 2, dtype=jnp.float32) * (-math.log(10000.0) / d_model))
    pe = jnp.zeros((max_len, 1, d_model), dtype=jnp.float32)
    pe = pe.at[:, 0, 0::2].set(jnp.sin(position * div_term))
    pe = pe.at[:, 0, 1::2].set(jnp.cos(position * div_term))
    return pe


def setup_inputs(seed: int = 0) -> dict:
    key = jax.random.key(seed)
    k_ids = jax.random.fold_in(key, 1)
    position_ids = jax.random.randint(k_ids, (4, 8192), 0, MAX_LEN, dtype=jnp.int64 if jax.config.jax_enable_x64 else jnp.int32)
    pe = make_pe(MAX_LEN, D_MODEL)
    return {"position_ids": position_ids, "pe": pe}


def reference(position_ids, pe):
    # Faithful translation of: return self.pe[position_ids]
    # pe: [max_len, 1, d_model]; output: position_ids.shape + (1, d_model)
    return jnp.take(pe, position_ids, axis=0)

if __name__ == "__main__":
    import jax
    _d = setup_inputs()
    print(jax.jit(kernel)(*tuple(_d.values())))

</pallas_src>

<mosaic_0001>
#map = affine_map<(d0, d1) -> (0, 0, 0)>
#map1 = affine_map<(d0, d1) -> (0, 0, 0, 0)>
module attributes {stable_mosaic.version = 14 : i64} {
  func.func @_gather_rows(%arg0: i32, %arg1: i32, %arg2: memref<32x16x64xi32, #tpu.memory_space<hbm>>, %arg3: memref<8192x1x768xf32, #tpu.memory_space<hbm>>, %arg4: memref<4x8192x1x768xf32, #tpu.memory_space<hbm>>, %arg5: memref<16x64xi32, #tpu.memory_space<vmem>>, %arg6: memref<2x64x1x768xf32, #tpu.memory_space<vmem>>, %arg7: memref<!tpu.dma_semaphore, #tpu.memory_space<semaphore_mem>>, %arg8: memref<!tpu.dma_semaphore, #tpu.memory_space<semaphore_mem>>, %arg9: memref<!tpu.dma_semaphore, #tpu.memory_space<semaphore_mem>>, %arg10: memref<!tpu.dma_semaphore, #tpu.memory_space<semaphore_mem>>) attributes {dimension_semantics = [#tpu.dimension_semantics<core_parallel>, #tpu.dimension_semantics<subcore_parallel>], iteration_bounds = array<i64: 2, 16>, scalar_prefetch = 0 : i64, scratch_operands = 6 : i64, tpu.core_type = #tpu.core_type<sc_vector_subcore>, window_params = [{transform_indices = #map}, {transform_indices = #map}, {transform_indices = #map1}]} {
    %mul3A = arith.constant 2 : i32
    %mul3A_0 = arith.muli %arg1, %mul3A : i32
    %add3A = arith.addi %mul3A_0, %arg0 : i32
    %jit3A = arith.constant 8 : i32
    %div3A = arith.divsi %add3A, %jit3A : i32
    %sign3A = arith.constant 0 : i32
    %sign3A_1 = arith.cmpi sgt, %add3A, %sign3A : i32
    %sign3A_2 = arith.extui %sign3A_1 : i1 to i32
    %sign3A_3 = arith.constant 0 : i32
    %sign3A_4 = arith.cmpi slt, %add3A, %sign3A_3 : i32
    %sign3A_5 = arith.extui %sign3A_4 : i1 to i32
    %sign3A_6 = arith.subi %sign3A_2, %sign3A_5 : i32
    %sign3A_7 = arith.constant 0 : i32
    %sign3A_8 = arith.cmpi sgt, %jit3A, %sign3A_7 : i32
    %sign3A_9 = arith.extui %sign3A_8 : i1 to i32
    %sign3A_10 = arith.constant 0 : i32
    %sign3A_11 = arith.cmpi slt, %jit3A, %sign3A_10 : i32
    %sign3A_12 = arith.extui %sign3A_11 : i1 to i32
    %sign3A_13 = arith.subi %sign3A_9, %sign3A_12 : i32
    %ne3A = arith.cmpi ne, %sign3A_6, %sign3A_13 : i32
    %rem3A = arith.remsi %add3A, %jit3A : i32
    %ne3A_14 = arith.constant 0 : i32
    %ne3A_15 = arith.cmpi ne, %rem3A, %ne3A_14 : i32
    %and3A = arith.andi %ne3A, %ne3A_15 : i1
    %sub3A = arith.constant 1 : i32
    %sub3A_16 = arith.subi %div3A, %sub3A : i32
    %select_n3A = arith.select %and3A, %sub3A_16, %div3A : i32
    %jit3A_17 = arith.constant 8 : i32
    %eq3A = arith.constant 0 : i32
    %eq3A_18 = arith.cmpi eq, %jit3A_17, %eq3A : i32
    %jit3A_19 = arith.constant 1 : i32
    %select_n3A_20 = arith.select %eq3A_18, %jit3A_19, %jit3A_17 : i32
    %rem3A_21 = arith.remsi %add3A, %select_n3A_20 : i32
    %ne3A_22 = arith.constant 0 : i32
    %ne3A_23 = arith.cmpi ne, %rem3A_21, %ne3A_22 : i32
    %lt3A = arith.constant 0 : i32
    %lt3A_24 = arith.cmpi slt, %rem3A_21, %lt3A : i32
    %lt3A_25 = arith.constant 0 : i32
    %lt3A_26 = arith.cmpi slt, %select_n3A_20, %lt3A_25 : i32
    %ne3A_27 = arith.xori %lt3A_24, %lt3A_26 : i1
    %and3A_28 = arith.andi %ne3A_27, %ne3A_23 : i1
    %add3A_29 = arith.addi %rem3A_21, %select_n3A_20 : i32
    %select_n3A_30 = arith.select %and3A_28, %add3A_29, %rem3A_21 : i32
    %mul3A_31 = arith.constant 1024 : i32
    %mul3A_32 = arith.muli %select_n3A_30, %mul3A_31 : i32
    "tpu.region"() ({
      %run_scoped3A = tpu.sem_alloc : memref<!tpu.dma_semaphore, #tpu.memory_space<semaphore_mem>>
      %dma_start3A_1100 = arith.constant 0 : i32
      %dma_start3A_1101 = arith.constant 0 : i32
      %dma_start3A_1102 = tpu.memref_slice %arg2[%add3A, %dma_start3A_1100, %dma_start3A_1101] : memref<32x16x64xi32, #tpu.memory_space<hbm>> -> memref<1x16x64xi32, #tpu.memory_space<hbm>>
      %dma_start3A_1103 = tpu.memref_squeeze %dma_start3A_1102 : memref<1x16x64xi32, #tpu.memory_space<hbm>> -> memref<16x64xi32, #tpu.memory_space<hbm>>
      %dma_start3A_1104 = arith.constant 0 : i32
      %dma_start3A_1105 = arith.constant 0 : i32
      %dma_start3A_1106 = tpu.memref_slice %arg2[%add3A, %dma_start3A_1104, %dma_start3A_1105] : memref<32x16x64xi32, #tpu.memory_space<hbm>> -> memref<1x16x64xi32, #tpu.memory_space<hbm>>
      %dma_start3A_1107 = tpu.memref_squeeze %dma_start3A_1106 : memref<1x16x64xi32, #tpu.memory_space<hbm>> -> memref<16x64xi32, #tpu.memory_space<hbm>>
      tpu.enqueue_dma source(%dma_start3A_1107 : memref<16x64xi32, #tpu.memory_space<hbm>>) target(%arg5 : memref<16x64xi32, #tpu.memory_space<vmem>>) target_semaphore(%run_scoped3A : memref<!tpu.dma_semaphore, #tpu.memory_space<semaphore_mem>>)
      %dma_wait3A_1108 = arith.constant 0 : i32
      %dma_wait3A_1109 = arith.constant 0 : i32
      %dma_wait3A_1110 = tpu.memref_slice %arg2[%add3A, %dma_wait3A_1108, %dma_wait3A_1109] : memref<32x16x64xi32, #tpu.memory_space<hbm>> -> memref<1x16x64xi32, #tpu.memory_space<hbm>>
      %dma_wait3A_1111 = tpu.memref_squeeze %dma_wait3A_1110 : memref<1x16x64xi32, #tpu.memory_space<hbm>> -> memref<16x64xi32, #tpu.memory_space<hbm>>
      %dma_wait3A_1112 = arith.constant 0 : i32
      %dma_wait3A_1113 = arith.constant 0 : i32
      %dma_wait3A_1114 = tpu.memref_slice %arg2[%add3A, %dma_wait3A_1112, %dma_wait3A_1113] : memref<32x16x64xi32, #tpu.memory_space<hbm>> -> memref<1x16x64xi32, #tpu.memory_space<hbm>>
      %dma_wait3A_1115 = tpu.memref_squeeze %dma_wait3A_1114 : memref<1x16x64xi32, #tpu.memory_space<hbm>> -> memref<16x64xi32, #tpu.memory_space<hbm>>
      tpu.wait_dma2 semaphore(%run_scoped3A : memref<!tpu.dma_semaphore, #tpu.memory_space<semaphore_mem>>) src(%dma_wait3A_1115 : memref<16x64xi32, #tpu.memory_space<hbm>>) dst(%arg5 : memref<16x64xi32, #tpu.memory_space<vmem>>)
      tpu.yield
    }) : () -> ()
    %dma_start3A = arith.constant 0 : i32
    %dma_start3A_33 = arith.constant 0 : i32
    %dma_start3A_34 = arith.constant 0 : i32
    %dma_start3A_35 = arith.constant 0 : i32
    %dma_start3A_36 = arith.constant 0 : i32
    %dma_start3A_37 = tpu.memref_slice %arg6[%dma_start3A_33, %dma_start3A_34, %dma_start3A_35, %dma_start3A_36] : memref<2x64x1x768xf32, #tpu.memory_space<vmem>> -> memref<1x64x1x768xf32, #tpu.memory_space<vmem>>
    %dma_start3A_38 = tpu.memref_squeeze %dma_start3A_37 : memref<1x64x1x768xf32, #tpu.memory_space<vmem>> -> memref<64x1x768xf32, #tpu.memory_space<vmem>>
    %dma_start3A_39 = arith.constant 0 : i32
    %dma_start3A_40 = tpu.memref_slice %arg5[%dma_start3A, %dma_start3A_39] : memref<16x64xi32, #tpu.memory_space<vmem>> -> memref<1x64xi32, #tpu.memory_space<vmem>>
    %dma_start3A_41 = tpu.memref_squeeze %dma_start3A_40 : memref<1x64xi32, #tpu.memory_space<vmem>> -> memref<64xi32, #tpu.memory_space<vmem>>
    %dma_start3A_42 = arith.constant 0 : i32
    %dma_start3A_43 = arith.constant 0 : i32
    %dma_start3A_44 = arith.constant 0 : i32
    %dma_start3A_45 = tpu.memref_slice %arg3[%dma_start3A_42, %dma_start3A_43, %dma_start3A_44] : memref<8192x1x768xf32, #tpu.memory_space<hbm>> -> memref<8192x1x768xf32, #tpu.memory_space<hbm>>
    tpu.enqueue_indirect_dma source(%dma_start3A_45 : memref<8192x1x768xf32, #tpu.memory_space<hbm>>) target(%dma_start3A_38 : memref<64x1x768xf32, #tpu.memory_space<vmem>>) offsets(%dma_start3A_41 : memref<64xi32, #tpu.memory_space<vmem>>) semaphore(%arg7 : memref<!tpu.dma_semaphore, #tpu.memory_space<semaphore_mem>>)
    %dma_start3A_46 = arith.constant 1 : i32
    %dma_start3A_47 = arith.constant 1 : i32
    %dma_start3A_48 = arith.constant 0 : i32
    %dma_start3A_49 = arith.constant 0 : i32
    %dma_start3A_50 = arith.constant 0 : i32
    %dma_start3A_51 = tpu.memref_slice %arg6[%dma_start3A_47, %dma_start3A_48, %dma_start3A_49, %dma_start3A_50] : memref<2x64x1x768xf32, #tpu.memory_space<vmem>> -> memref<1x64x1x768xf32, #tpu.memory_space<vmem>>
    %dma_start3A_52 = tpu.memref_squeeze %dma_start3A_51 : memref<1x64x1x768xf32, #tpu.memory_space<vmem>> -> memref<64x1x768xf32, #tpu.memory_space<vmem>>
    %dma_start3A_53 = arith.constant 0 : i32
    %dma_start3A_54 = tpu.memref_slice %arg5[%dma_start3A_46, %dma_start3A_53] : memref<16x64xi32, #tpu.memory_space<vmem>> -> memref<1x64xi32, #tpu.memory_space<vmem>>
    %dma_start3A_55 = tpu.memref_squeeze %dma_start3A_54 : memref<1x64xi32, #tpu.memory_space<vmem>> -> memref<64xi32, #tpu.memory_space<vmem>>
    %dma_start3A_56 = arith.constant 0 : i32
    %dma_start3A_57 = arith.constant 0 : i32
    %dma_start3A_58 = arith.constant 0 : i32
    %dma_start3A_59 = tpu.memref_slice %arg3[%dma_start3A_56, %dma_start3A_57, %dma_start3A_58] : memref<8192x1x768xf32, #tpu.memory_space<hbm>> -> memref<8192x1x768xf32, #tpu.memory_space<hbm>>
    tpu.enqueue_indirect_dma source(%dma_start3A_59 : memref<8192x1x768xf32, #tpu.memory_space<hbm>>) target(%dma_start3A_52 : memref<64x1x768xf32, #tpu.memory_space<vmem>>) offsets(%dma_start3A_55 : memref<64xi32, #tpu.memory_space<vmem>>) semaphore(%arg8 : memref<!tpu.dma_semaphore, #tpu.memory_space<semaphore_mem>>)
    %dma_wait3A = arith.constant 0 : i32
    %dma_wait3A_60 = arith.constant 0 : i32
    %dma_wait3A_61 = arith.constant 0 : i32
    %dma_wait3A_62 = arith.constant 0 : i32
    %dma_wait3A_63 = arith.constant 0 : i32
    %dma_wait3A_64 = tpu.memref_slice %arg6[%dma_wait3A_60, %dma_wait3A_61, %dma_wait3A_62, %dma_wait3A_63] : memref<2x64x1x768xf32, #tpu.memory_space<vmem>> -> memref<1x64x1x768xf32, #tpu.memory_space<vmem>>
    %dma_wait3A_65 = tpu.memref_squeeze %dma_wait3A_64 : memref<1x64x1x768xf32, #tpu.memory_space<vmem>> -> memref<64x1x768xf32, #tpu.memory_space<vmem>>
    %dma_wait3A_66 = arith.constant 0 : i32
    %dma_wait3A_67 = tpu.memref_slice %arg5[%dma_wait3A, %dma_wait3A_66] : memref<16x64xi32, #tpu.memory_space<vmem>> -> memref<1x64xi32, #tpu.memory_space<vmem>>
    %dma_wait3A_68 = tpu.memref_squeeze %dma_wait3A_67 : memref<1x64xi32, #tpu.memory_space<vmem>> -> memref<64xi32, #tpu.memory_space<vmem>>
    %dma_wait3A_69 = arith.constant 0 : i32
    %dma_wait3A_70 = arith.constant 0 : i32
    %dma_wait3A_71 = arith.constant 0 : i32
    %dma_wait3A_72 = tpu.memref_slice %arg3[%dma_wait3A_69, %dma_wait3A_70, %dma_wait3A_71] : memref<8192x1x768xf32, #tpu.memory_space<hbm>> -> memref<8192x1x768xf32, #tpu.memory_space<hbm>>
    tpu.wait_indirect_dma semaphore(%arg7 : memref<!tpu.dma_semaphore, #tpu.memory_space<semaphore_mem>>) src(%dma_wait3A_72 : memref<8192x1x768xf32, #tpu.memory_space<hbm>>) dst(%dma_wait3A_65 : memref<64x1x768xf32, #tpu.memory_space<vmem>>)
    %add3A_73 = arith.constant 0 : i32
    %add3A_74 = arith.addi %mul3A_32, %add3A_73 : i32
    %dma_start3A_75 = arith.constant 0 : i32
    %dma_start3A_76 = arith.constant 0 : i32
    %dma_start3A_77 = arith.constant 0 : i32
    %dma_start3A_78 = arith.constant 0 : i32
    %dma_start3A_79 = tpu.memref_slice %arg6[%dma_start3A_75, %dma_start3A_76, %dma_start3A_77, %dma_start3A_78] : memref<2x64x1x768xf32, #tpu.memory_space<vmem>> -> memref<1x64x1x768xf32, #tpu.memory_space<vmem>>
    %dma_start3A_80 = tpu.memref_squeeze %dma_start3A_79 : memref<1x64x1x768xf32, #tpu.memory_space<vmem>> -> memref<64x1x768xf32, #tpu.memory_space<vmem>>
    %dma_start3A_81 = arith.constant 0 : i32
    %dma_start3A_82 = arith.constant 0 : i32
    %dma_start3A_83 = tpu.memref_slice %arg4[%select_n3A, %add3A_74, %dma_start3A_81, %dma_start3A_82] : memref<4x8192x1x768xf32, #tpu.memory_space<hbm>> -> memref<1x64x1x768xf32, #tpu.memory_space<hbm>>
    %dma_start3A_84 = tpu.memref_squeeze %dma_start3A_83 : memref<1x64x1x768xf32, #tpu.memory_space<hbm>> -> memref<64x1x768xf32, #tpu.memory_space<hbm>>
    %dma_start3A_85 = arith.constant 0 : i32
    %dma_start3A_86 = arith.constant 0 : i32
    %dma_start3A_87 = tpu.memref_slice %arg4[%select_n3A, %add3A_74, %dma_start3A_85, %dma_start3A_86] : memref<4x8192x1x768xf32, #tpu.memory_space<hbm>> -> memref<1x64x1x768xf32, #tpu.memory_space<hbm>>
    %dma_start3A_88 = tpu.memref_squeeze %dma_start3A_87 : memref<1x64x1x768xf32, #tpu.memory_space<hbm>> -> memref<64x1x768xf32, #tpu.memory_space<hbm>>
    %dma_start3A_89 = arith.constant 0 : i32
    %dma_start3A_90 = arith.constant 0 : i32
    %dma_start3A_91 = arith.constant 0 : i32
    %dma_start3A_92 = tpu.memref_slice %arg6[%dma_start3A_75, %dma_start3A_89, %dma_start3A_90, %dma_start3A_91] : memref<2x64x1x768xf32, #tpu.memory_space<vmem>> -> memref<1x64x1x768xf32, #tpu.memory_space<vmem>>
    %dma_start3A_93 = tpu.memref_squeeze %dma_start3A_92 : memref<1x64x1x768xf32, #tpu.memory_space<vmem>> -> memref<64x1x768xf32, #tpu.memory_space<vmem>>
    tpu.enqueue_dma source(%dma_start3A_93 : memref<64x1x768xf32, #tpu.memory_space<vmem>>) target(%dma_start3A_88 : memref<64x1x768xf32, #tpu.memory_space<hbm>>) target_semaphore(%arg9 : memref<!tpu.dma_semaphore, #tpu.memory_space<semaphore_mem>>)
    %dma_wait3A_94 = arith.constant 0 : i32
    %dma_wait3A_95 = arith.constant 0 : i32
    %dma_wait3A_96 = arith.constant 0 : i32
    %dma_wait3A_97 = arith.constant 0 : i32
    %dma_wait3A_98 = tpu.memref_slice %arg6[%dma_wait3A_94, %dma_wait3A_95, %dma_wait3A_96, %dma_wait3A_97] : memref<2x64x1x768xf32, #tpu.memory_space<vmem>> -> memref<1x64x1x768xf32, #tpu.memory_space<vmem>>
    %dma_wait3A_99 = tpu.memref_squeeze %dma_wait3A_98 : memref<1x64x1x768xf32, #tpu.memory_space<vmem>> -> memref<64x1x768xf32, #tpu.memory_space<vmem>>
    %dma_wait3A_100 = arith.constant 0 : i32
    %dma_wait3A_101 = arith.constant 0 : i32
    %dma_wait3A_102 = tpu.memref_slice %arg4[%select_n3A, %add3A_74, %dma_wait3A_100, %dma_wait3A_101] : memref<4x8192x1x768xf32, #tpu.memory_space<hbm>> -> memref<1x64x1x768xf32, #tpu.memory_space<hbm>>
    %dma_wait3A_103 = tpu.memref_squeeze %dma_wait3A_102 : memref<1x64x1x768xf32, #tpu.memory_space<hbm>> -> memref<64x1x768xf32, #tpu.memory_space<hbm>>
    %dma_wait3A_104 = arith.constant 0 : i32
    %dma_wait3A_105 = arith.constant 0 : i32
    %dma_wait3A_106 = tpu.memref_slice %arg4[%select_n3A, %add3A_74, %dma_wait3A_104, %dma_wait3A_105] : memref<4x8192x1x768xf32, #tpu.memory_space<hbm>> -> memref<1x64x1x768xf32, #tpu.memory_space<hbm>>
    %dma_wait3A_107 = tpu.memref_squeeze %dma_wait3A_106 : memref<1x64x1x768xf32, #tpu.memory_space<hbm>> -> memref<64x1x768xf32, #tpu.memory_space<hbm>>
    %dma_wait3A_108 = arith.constant 0 : i32
    %dma_wait3A_109 = arith.constant 0 : i32
    %dma_wait3A_110 = arith.constant 0 : i32
    %dma_wait3A_111 = tpu.memref_slice %arg6[%dma_wait3A_94, %dma_wait3A_108, %dma_wait3A_109, %dma_wait3A_110] : memref<2x64x1x768xf32, #tpu.memory_space<vmem>> -> memref<1x64x1x768xf32, #tpu.memory_space<vmem>>
    %dma_wait3A_112 = tpu.memref_squeeze %dma_wait3A_111 : memref<1x64x1x768xf32, #tpu.memory_space<vmem>> -> memref<64x1x768xf32, #tpu.memory_space<vmem>>
    tpu.wait_dma2 semaphore(%arg9 : memref<!tpu.dma_semaphore, #tpu.memory_space<semaphore_mem>>) src(%dma_wait3A_112 : memref<64x1x768xf32, #tpu.memory_space<vmem>>) dst(%dma_wait3A_107 : memref<64x1x768xf32, #tpu.memory_space<hbm>>)
    %dma_start3A_113 = arith.constant 2 : i32
    %dma_start3A_114 = arith.constant 0 : i32
    %dma_start3A_115 = arith.constant 0 : i32
    %dma_start3A_116 = arith.constant 0 : i32
    %dma_start3A_117 = arith.constant 0 : i32
    %dma_start3A_118 = tpu.memref_slice %arg6[%dma_start3A_114, %dma_start3A_115, %dma_start3A_116, %dma_start3A_117] : memref<2x64x1x768xf32, #tpu.memory_space<vmem>> -> memref<1x64x1x768xf32, #tpu.memory_space<vmem>>
    %dma_start3A_119 = tpu.memref_squeeze %dma_start3A_118 : memref<1x64x1x768xf32, #tpu.memory_space<vmem>> -> memref<64x1x768xf32, #tpu.memory_space<vmem>>
    %dma_start3A_120 = arith.constant 0 : i32
    %dma_start3A_121 = tpu.memref_slice %arg5[%dma_start3A_113, %dma_start3A_120] : memref<16x64xi32, #tpu.memory_space<vmem>> -> memref<1x64xi32, #tpu.memory_space<vmem>>
    %dma_start3A_122 = tpu.memref_squeeze %dma_start3A_121 : memref<1x64xi32, #tpu.memory_space<vmem>> -> memref<64xi32, #tpu.memory_space<vmem>>
    %dma_start3A_123 = arith.constant 0 : i32
    %dma_start3A_124 = arith.constant 0 : i32
    %dma_start3A_125 = arith.constant 0 : i32
    %dma_start3A_126 = tpu.memref_slice %arg3[%dma_start3A_123, %dma_start3A_124, %dma_start3A_125] : memref<8192x1x768xf32, #tpu.memory_space<hbm>> -> memref<8192x1x768xf32, #tpu.memory_space<hbm>>
    tpu.enqueue_indirect_dma source(%dma_start3A_126 : memref<8192x1x768xf32, #tpu.memory_space<hbm>>) target(%dma_start3A_119 : memref<64x1x768xf32, #tpu.memory_space<vmem>>) offsets(%dma_start3A_122 : memref<64xi32, #tpu.memory_space<vmem>>) semaphore(%arg7 : memref<!tpu.dma_semaphore, #tpu.memory_space<semaphore_mem>>)
    %dma_wait3A_127 = arith.constant 1 : i32
    %dma_wait3A_128 = arith.constant 1 : i32
    %dma_wait3A_129 = arith.constant 0 : i32
    %dma_wait3A_130 = arith.constant 0 : i32
    %dma_wait3A_131 = arith.constant 0 : i32
    %dma_wait3A_132 = tpu.memref_slice %arg6[%dma_wait3A_128, %dma_wait3A_129, %dma_wait3A_130, %dma_wait3A_131] : memref<2x64x1x768xf32, #tpu.memory_space<vmem>> -> memref<1x64x1x768xf32, #tpu.memory_space<vmem>>
    %dma_wait3A_133 = tpu.memref_squeeze %dma_wait3A_132 : memref<1x64x1x768xf32, #tpu.memory_space<vmem>> -> memref<64x1x768xf32, #tpu.memory_space<vmem>>
    %dma_wait3A_134 = arith.constant 0 : i32
    %dma_wait3A_135 = tpu.memref_slice %arg5[%dma_wait3A_127, %dma_wait3A_134] : memref<16x64xi32, #tpu.memory_space<vmem>> -> memref<1x64xi32, #tpu.memory_space<vmem>>
    %dma_wait3A_136 = tpu.memref_squeeze %dma_wait3A_135 : memref<1x64xi32, #tpu.memory_space<vmem>> -> memref<64xi32, #tpu.memory_space<vmem>>
    %dma_wait3A_137 = arith.constant 0 : i32
    %dma_wait3A_138 = arith.constant 0 : i32
    %dma_wait3A_139 = arith.constant 0 : i32
    %dma_wait3A_140 = tpu.memref_slice %arg3[%dma_wait3A_137, %dma_wait3A_138, %dma_wait3A_139] : memref<8192x1x768xf32, #tpu.memory_space<hbm>> -> memref<8192x1x768xf32, #tpu.memory_space<hbm>>
    tpu.wait_indirect_dma semaphore(%arg8 : memref<!tpu.dma_semaphore, #tpu.memory_space<semaphore_mem>>) src(%dma_wait3A_140 : memref<8192x1x768xf32, #tpu.memory_space<hbm>>) dst(%dma_wait3A_133 : memref<64x1x768xf32, #tpu.memory_space<vmem>>)
    %add3A_141 = arith.constant 64 : i32
    %add3A_142 = arith.addi %mul3A_32, %add3A_141 : i32
    %dma_start3A_143 = arith.constant 1 : i32
    %dma_start3A_144 = arith.constant 0 : i32
    %dma_start3A_145 = arith.constant 0 : i32
    %dma_start3A_146 = arith.constant 0 : i32
    %dma_start3A_147 = tpu.memref_slice %arg6[%dma_start3A_143, %dma_start3A_144, %dma_start3A_145, %dma_start3A_146] : memref<2x64x1x768xf32, #tpu.memory_space<vmem>> -> memref<1x64x1x768xf32, #tpu.memory_space<vmem>>
    %dma_start3A_148 = tpu.memref_squeeze %dma_start3A_147 : memref<1x64x1x768xf32, #tpu.memory_space<vmem>> -> memref<64x1x768xf32, #tpu.memory_space<vmem>>
    %dma_start3A_149 = arith.constant 0 : i32
    %dma_start3A_150 = arith.constant 0 : i32
    %dma_start3A_151 = tpu.memref_slice %arg4[%select_n3A, %add3A_142, %dma_start3A_149, %dma_start3A_150] : memref<4x8192x1x768xf32, #tpu.memory_space<hbm>> -> memref<1x64x1x768xf32, #tpu.memory_space<hbm>>
    %dma_start3A_152 = tpu.memref_squeeze %dma_start3A_151 : memref<1x64x1x768xf32, #tpu.memory_space<hbm>> -> memref<64x1x768xf32, #tpu.memory_space<hbm>>
    %dma_start3A_153 = arith.constant 0 : i32
    %dma_start3A_154 = arith.constant 0 : i32
    %dma_start3A_155 = tpu.memref_slice %arg4[%select_n3A, %add3A_142, %dma_start3A_153, %dma_start3A_154] : memref<4x8192x1x768xf32, #tpu.memory_space<hbm>> -> memref<1x64x1x768xf32, #tpu.memory_space<hbm>>
    %dma_start3A_156 = tpu.memref_squeeze %dma_start3A_155 : memref<1x64x1x768xf32, #tpu.memory_space<hbm>> -> memref<64x1x768xf32, #tpu.memory_space<hbm>>
    %dma_start3A_157 = arith.constant 0 : i32
    %dma_start3A_158 = arith.constant 0 : i32
    %dma_start3A_159 = arith.constant 0 : i32
    %dma_start3A_160 = tpu.memref_slice %arg6[%dma_start3A_143, %dma_start3A_157, %dma_start3A_158, %dma_start3A_159] : memref<2x64x1x768xf32, #tpu.memory_space<vmem>> -> memref<1x64x1x768xf32, #tpu.memory_space<vmem>>
    %dma_start3A_161 = tpu.memref_squeeze %dma_start3A_160 : memref<1x64x1x768xf32, #tpu.memory_space<vmem>> -> memref<64x1x768xf32, #tpu.memory_space<vmem>>
    tpu.enqueue_dma source(%dma_start3A_161 : memref<64x1x768xf32, #tpu.memory_space<vmem>>) target(%dma_start3A_156 : memref<64x1x768xf32, #tpu.memory_space<hbm>>) target_semaphore(%arg10 : memref<!tpu.dma_semaphore, #tpu.memory_space<semaphore_mem>>)
    %dma_wait3A_162 = arith.constant 1 : i32
    %dma_wait3A_163 = arith.constant 0 : i32
    %dma_wait3A_164 = arith.constant 0 : i32
    %dma_wait3A_165 = arith.constant 0 : i32
    %dma_wait3A_166 = tpu.memref_slice %arg6[%dma_wait3A_162, %dma_wait3A_163, %dma_wait3A_164, %dma_wait3A_165] : memref<2x64x1x768xf32, #tpu.memory_space<vmem>> -> memref<1x64x1x768xf32, #tpu.memory_space<vmem>>
    %dma_wait3A_167 = tpu.memref_squeeze %dma_wait3A_166 : memref<1x64x1x768xf32, #tpu.memory_space<vmem>> -> memref<64x1x768xf32, #tpu.memory_space<vmem>>
    %dma_wait3A_168 = arith.constant 0 : i32
    %dma_wait3A_169 = arith.constant 0 : i32
    %dma_wait3A_170 = tpu.memref_slice %arg4[%select_n3A, %add3A_142, %dma_wait3A_168, %dma_wait3A_169] : memref<4x8192x1x768xf32, #tpu.memory_space<hbm>> -> memref<1x64x1x768xf32, #tpu.memory_space<hbm>>
    %dma_wait3A_171 = tpu.memref_squeeze %dma_wait3A_170 : memref<1x64x1x768xf32, #tpu.memory_space<hbm>> -> memref<64x1x768xf32, #tpu.memory_space<hbm>>
    %dma_wait3A_172 = arith.constant 0 : i32
    %dma_wait3A_173 = arith.constant 0 : i32
    %dma_wait3A_174 = tpu.memref_slice %arg4[%select_n3A, %add3A_142, %dma_wait3A_172, %dma_wait3A_173] : memref<4x8192x1x768xf32, #tpu.memory_space<hbm>> -> memref<1x64x1x768xf32, #tpu.memory_space<hbm>>
    %dma_wait3A_175 = tpu.memref_squeeze %dma_wait3A_174 : memref<1x64x1x768xf32, #tpu.memory_space<hbm>> -> memref<64x1x768xf32, #tpu.memory_space<hbm>>
    %dma_wait3A_176 = arith.constant 0 : i32
    %dma_wait3A_177 = arith.constant 0 : i32
    %dma_wait3A_178 = arith.constant 0 : i32
    %dma_wait3A_179 = tpu.memref_slice %arg6[%dma_wait3A_162, %dma_wait3A_176, %dma_wait3A_177, %dma_wait3A_178] : memref<2x64x1x768xf32, #tpu.memory_space<vmem>> -> memref<1x64x1x768xf32, #tpu.memory_space<vmem>>
    %dma_wait3A_180 = tpu.memref_squeeze %dma_wait3A_179 : memref<1x64x1x768xf32, #tpu.memory_space<vmem>> -> memref<64x1x768xf32, #tpu.memory_space<vmem>>
    tpu.wait_dma2 semaphore(%arg10 : memref<!tpu.dma_semaphore, #tpu.memory_space<semaphore_mem>>) src(%dma_wait3A_180 : memref<64x1x768xf32, #tpu.memory_space<vmem>>) dst(%dma_wait3A_175 : memref<64x1x768xf32, #tpu.memory_space<hbm>>)
    %dma_start3A_181 = arith.constant 3 : i32
    %dma_start3A_182 = arith.constant 1 : i32
    %dma_start3A_183 = arith.constant 0 : i32
    %dma_start3A_184 = arith.constant 0 : i32
    %dma_start3A_185 = arith.constant 0 : i32
    %dma_start3A_186 = tpu.memref_slice %arg6[%dma_start3A_182, %dma_start3A_183, %dma_start3A_184, %dma_start3A_185] : memref<2x64x1x768xf32, #tpu.memory_space<vmem>> -> memref<1x64x1x768xf32, #tpu.memory_space<vmem>>
    %dma_start3A_187 = tpu.memref_squeeze %dma_start3A_186 : memref<1x64x1x768xf32, #tpu.memory_space<vmem>> -> memref<64x1x768xf32, #tpu.memory_space<vmem>>
    %dma_start3A_188 = arith.constant 0 : i32
    %dma_start3A_189 = tpu.memref_slice %arg5[%dma_start3A_181, %dma_start3A_188] : memref<16x64xi32, #tpu.memory_space<vmem>> -> memref<1x64xi32, #tpu.memory_space<vmem>>
    %dma_start3A_190 = tpu.memref_squeeze %dma_start3A_189 : memref<1x64xi32, #tpu.memory_space<vmem>> -> memref<64xi32, #tpu.memory_space<vmem>>
    %dma_start3A_191 = arith.constant 0 : i32
    %dma_start3A_192 = arith.constant 0 : i32
    %dma_start3A_193 = arith.constant 0 : i32
    %dma_start3A_194 = tpu.memref_slice %arg3[%dma_start3A_191, %dma_start3A_192, %dma_start3A_193] : memref<8192x1x768xf32, #tpu.memory_space<hbm>> -> memref<8192x1x768xf32, #tpu.memory_space<hbm>>
    tpu.enqueue_indirect_dma source(%dma_start3A_194 : memref<8192x1x768xf32, #tpu.memory_space<hbm>>) target(%dma_start3A_187 : memref<64x1x768xf32, #tpu.memory_space<vmem>>) offsets(%dma_start3A_190 : memref<64xi32, #tpu.memory_space<vmem>>) semaphore(%arg8 : memref<!tpu.dma_semaphore, #tpu.memory_space<semaphore_mem>>)
    %dma_wait3A_195 = arith.constant 2 : i32
    %dma_wait3A_196 = arith.constant 0 : i32
    %dma_wait3A_197 = arith.constant 0 : i32
    %dma_wait3A_198 = arith.constant 0 : i32
    %dma_wait3A_199 = arith.constant 0 : i32
    %dma_wait3A_200 = tpu.memref_slice %arg6[%dma_wait3A_196, %dma_wait3A_197, %dma_wait3A_198, %dma_wait3A_199] : memref<2x64x1x768xf32, #tpu.memory_space<vmem>> -> memref<1x64x1x768xf32, #tpu.memory_space<vmem>>
    %dma_wait3A_201 = tpu.memref_squeeze %dma_wait3A_200 : memref<1x64x1x768xf32, #tpu.memory_space<vmem>> -> memref<64x1x768xf32, #tpu.memory_space<vmem>>
    %dma_wait3A_202 = arith.constant 0 : i32
    %dma_wait3A_203 = tpu.memref_slice %arg5[%dma_wait3A_195, %dma_wait3A_202] : memref<16x64xi32, #tpu.memory_space<vmem>> -> memref<1x64xi32, #tpu.memory_space<vmem>>
    %dma_wait3A_204 = tpu.memref_squeeze %dma_wait3A_203 : memref<1x64xi32, #tpu.memory_space<vmem>> -> memref<64xi32, #tpu.memory_space<vmem>>
    %dma_wait3A_205 = arith.constant 0 : i32
    %dma_wait3A_206 = arith.constant 0 : i32
    %dma_wait3A_207 = arith.constant 0 : i32
    %dma_wait3A_208 = tpu.memref_slice %arg3[%dma_wait3A_205, %dma_wait3A_206, %dma_wait3A_207] : memref<8192x1x768xf32, #tpu.memory_space<hbm>> -> memref<8192x1x768xf32, #tpu.memory_space<hbm>>
    tpu.wait_indirect_dma semaphore(%arg7 : memref<!tpu.dma_semaphore, #tpu.memory_space<semaphore_mem>>) src(%dma_wait3A_208 : memref<8192x1x768xf32, #tpu.memory_space<hbm>>) dst(%dma_wait3A_201 : memref<64x1x768xf32, #tpu.memory_space<vmem>>)
    %add3A_209 = arith.constant 128 : i32
    %add3A_210 = arith.addi %mul3A_32, %add3A_209 : i32
    %dma_start3A_211 = arith.constant 0 : i32
    %dma_start3A_212 = arith.constant 0 : i32
    %dma_start3A_213 = arith.constant 0 : i32
    %dma_start3A_214 = arith.constant 0 : i32
    %dma_start3A_215 = tpu.memref_slice %arg6[%dma_start3A_211, %dma_start3A_212, %dma_start3A_213, %dma_start3A_214] : memref<2x64x1x768xf32, #tpu.memory_space<vmem>> -> memref<1x64x1x768xf32, #tpu.memory_space<vmem>>
    %dma_start3A_216 = tpu.memref_squeeze %dma_start3A_215 : memref<1x64x1x768xf32, #tpu.memory_space<vmem>> -> memref<64x1x768xf32, #tpu.memory_space<vmem>>
    %dma_start3A_217 = arith.constant 0 : i32
    %dma_start3A_218 = arith.constant 0 : i32
    %dma_start3A_219 = tpu.memref_slice %arg4[%select_n3A, %add3A_210, %dma_start3A_217, %dma_start3A_218] : memref<4x8192x1x768xf32, #tpu.memory_space<hbm>> -> memref<1x64x1x768xf32, #tpu.memory_space<hbm>>
    %dma_start3A_220 = tpu.memref_squeeze %dma_start3A_219 : memref<1x64x1x768xf32, #tpu.memory_space<hbm>> -> memref<64x1x768xf32, #tpu.memory_space<hbm>>
    %dma_start3A_221 = arith.constant 0 : i32
    %dma_start3A_222 = arith.constant 0 : i32
    %dma_start3A_223 = tpu.memref_slice %arg4[%select_n3A, %add3A_210, %dma_start3A_221, %dma_start3A_222] : memref<4x8192x1x768xf32, #tpu.memory_space<hbm>> -> memref<1x64x1x768xf32, #tpu.memory_space<hbm>>
    %dma_start3A_224 = tpu.memref_squeeze %dma_start3A_223 : memref<1x64x1x768xf32, #tpu.memory_space<hbm>> -> memref<64x1x768xf32, #tpu.memory_space<hbm>>
    %dma_start3A_225 = arith.constant 0 : i32
    %dma_start3A_226 = arith.constant 0 : i32
    %dma_start3A_227 = arith.constant 0 : i32
    %dma_start3A_228 = tpu.memref_slice %arg6[%dma_start3A_211, %dma_start3A_225, %dma_start3A_226, %dma_start3A_227] : memref<2x64x1x768xf32, #tpu.memory_space<vmem>> -> memref<1x64x1x768xf32, #tpu.memory_space<vmem>>
    %dma_start3A_229 = tpu.memref_squeeze %dma_start3A_228 : memref<1x64x1x768xf32, #tpu.memory_space<vmem>> -> memref<64x1x768xf32, #tpu.memory_space<vmem>>
    tpu.enqueue_dma source(%dma_start3A_229 : memref<64x1x768xf32, #tpu.memory_space<vmem>>) target(%dma_start3A_224 : memref<64x1x768xf32, #tpu.memory_space<hbm>>) target_semaphore(%arg9 : memref<!tpu.dma_semaphore, #tpu.memory_space<semaphore_mem>>)
    %dma_wait3A_230 = arith.constant 0 : i32
    %dma_wait3A_231 = arith.constant 0 : i32
    %dma_wait3A_232 = arith.constant 0 : i32
    %dma_wait3A_233 = arith.constant 0 : i32
    %dma_wait3A_234 = tpu.memref_slice %arg6[%dma_wait3A_230, %dma_wait3A_231, %dma_wait3A_232, %dma_wait3A_233] : memref<2x64x1x768xf32, #tpu.memory_space<vmem>> -> memref<1x64x1x768xf32, #tpu.memory_space<vmem>>
    %dma_wait3A_235 = tpu.memref_squeeze %dma_wait3A_234 : memref<1x64x1x768xf32, #tpu.memory_space<vmem>> -> memref<64x1x768xf32, #tpu.memory_space<vmem>>
    %dma_wait3A_236 = arith.constant 0 : i32
    %dma_wait3A_237 = arith.constant 0 : i32
    %dma_wait3A_238 = tpu.memref_slice %arg4[%select_n3A, %add3A_210, %dma_wait3A_236, %dma_wait3A_237] : memref<4x8192x1x768xf32, #tpu.memory_space<hbm>> -> memref<1x64x1x768xf32, #tpu.memory_space<hbm>>
    %dma_wait3A_239 = tpu.memref_squeeze %dma_wait3A_238 : memref<1x64x1x768xf32, #tpu.memory_space<hbm>> -> memref<64x1x768xf32, #tpu.memory_space<hbm>>
    %dma_wait3A_240 = arith.constant 0 : i32
    %dma_wait3A_241 = arith.constant 0 : i32
    %dma_wait3A_242 = tpu.memref_slice %arg4[%select_n3A, %add3A_210, %dma_wait3A_240, %dma_wait3A_241] : memref<4x8192x1x768xf32, #tpu.memory_space<hbm>> -> memref<1x64x1x768xf32, #tpu.memory_space<hbm>>
    %dma_wait3A_243 = tpu.memref_squeeze %dma_wait3A_242 : memref<1x64x1x768xf32, #tpu.memory_space<hbm>> -> memref<64x1x768xf32, #tpu.memory_space<hbm>>
    %dma_wait3A_244 = arith.constant 0 : i32
    %dma_wait3A_245 = arith.constant 0 : i32
    %dma_wait3A_246 = arith.constant 0 : i32
    %dma_wait3A_247 = tpu.memref_slice %arg6[%dma_wait3A_230, %dma_wait3A_244, %dma_wait3A_245, %dma_wait3A_246] : memref<2x64x1x768xf32, #tpu.memory_space<vmem>> -> memref<1x64x1x768xf32, #tpu.memory_space<vmem>>
    %dma_wait3A_248 = tpu.memref_squeeze %dma_wait3A_247 : memref<1x64x1x768xf32, #tpu.memory_space<vmem>> -> memref<64x1x768xf32, #tpu.memory_space<vmem>>
    tpu.wait_dma2 semaphore(%arg9 : memref<!tpu.dma_semaphore, #tpu.memory_space<semaphore_mem>>) src(%dma_wait3A_248 : memref<64x1x768xf32, #tpu.memory_space<vmem>>) dst(%dma_wait3A_243 : memref<64x1x768xf32, #tpu.memory_space<hbm>>)
    %dma_start3A_249 = arith.constant 4 : i32
    %dma_start3A_250 = arith.constant 0 : i32
    %dma_start3A_251 = arith.constant 0 : i32
    %dma_start3A_252 = arith.constant 0 : i32
    %dma_start3A_253 = arith.constant 0 : i32
    %dma_start3A_254 = tpu.memref_slice %arg6[%dma_start3A_250, %dma_start3A_251, %dma_start3A_252, %dma_start3A_253] : memref<2x64x1x768xf32, #tpu.memory_space<vmem>> -> memref<1x64x1x768xf32, #tpu.memory_space<vmem>>
    %dma_start3A_255 = tpu.memref_squeeze %dma_start3A_254 : memref<1x64x1x768xf32, #tpu.memory_space<vmem>> -> memref<64x1x768xf32, #tpu.memory_space<vmem>>
    %dma_start3A_256 = arith.constant 0 : i32
    %dma_start3A_257 = tpu.memref_slice %arg5[%dma_start3A_249, %dma_start3A_256] : memref<16x64xi32, #tpu.memory_space<vmem>> -> memref<1x64xi32, #tpu.memory_space<vmem>>
    %dma_start3A_258 = tpu.memref_squeeze %dma_start3A_257 : memref<1x64xi32, #tpu.memory_space<vmem>> -> memref<64xi32, #tpu.memory_space<vmem>>
    %dma_start3A_259 = arith.constant 0 : i32
    %dma_start3A_260 = arith.constant 0 : i32
    %dma_start3A_261 = arith.constant 0 : i32
    %dma_start3A_262 = tpu.memref_slice %arg3[%dma_start3A_259, %dma_start3A_260, %dma_start3A_261] : memref<8192x1x768xf32, #tpu.memory_space<hbm>> -> memref<8192x1x768xf32, #tpu.memory_space<hbm>>
    tpu.enqueue_indirect_dma source(%dma_start3A_262 : memref<8192x1x768xf32, #tpu.memory_space<hbm>>) target(%dma_start3A_255 : memref<64x1x768xf32, #tpu.memory_space<vmem>>) offsets(%dma_start3A_258 : memref<64xi32, #tpu.memory_space<vmem>>) semaphore(%arg7 : memref<!tpu.dma_semaphore, #tpu.memory_space<semaphore_mem>>)
    %dma_wait3A_263 = arith.constant 3 : i32
    %dma_wait3A_264 = arith.constant 1 : i32
    %dma_wait3A_265 = arith.constant 0 : i32
    %dma_wait3A_266 = arith.constant 0 : i32
    %dma_wait3A_267 = arith.constant 0 : i32
    %dma_wait3A_268 = tpu.memref_slice %arg6[%dma_wait3A_264, %dma_wait3A_265, %dma_wait3A_266, %dma_wait3A_267] : memref<2x64x1x768xf32, #tpu.memory_space<vmem>> -> memref<1x64x1x768xf32, #tpu.memory_space<vmem>>
    %dma_wait3A_269 = tpu.memref_squeeze %dma_wait3A_268 : memref<1x64x1x768xf32, #tpu.memory_space<vmem>> -> memref<64x1x768xf32, #tpu.memory_space<vmem>>
    %dma_wait3A_270 = arith.constant 0 : i32
    %dma_wait3A_271 = tpu.memref_slice %arg5[%dma_wait3A_263, %dma_wait3A_270] : memref<16x64xi32, #tpu.memory_space<vmem>> -> memref<1x64xi32, #tpu.memory_space<vmem>>
    %dma_wait3A_272 = tpu.memref_squeeze %dma_wait3A_271 : memref<1x64xi32, #tpu.memory_space<vmem>> -> memref<64xi32, #tpu.memory_space<vmem>>
    %dma_wait3A_273 = arith.constant 0 : i32
    %dma_wait3A_274 = arith.constant 0 : i32
    %dma_wait3A_275 = arith.constant 0 : i32
    %dma_wait3A_276 = tpu.memref_slice %arg3[%dma_wait3A_273, %dma_wait3A_274, %dma_wait3A_275] : memref<8192x1x768xf32, #tpu.memory_space<hbm>> -> memref<8192x1x768xf32, #tpu.memory_space<hbm>>
    tpu.wait_indirect_dma semaphore(%arg8 : memref<!tpu.dma_semaphore, #tpu.memory_space<semaphore_mem>>) src(%dma_wait3A_276 : memref<8192x1x768xf32, #tpu.memory_space<hbm>>) dst(%dma_wait3A_269 : memref<64x1x768xf32, #tpu.memory_space<vmem>>)
    %add3A_277 = arith.constant 192 : i32
    %add3A_278 = arith.addi %mul3A_32, %add3A_277 : i32
    %dma_start3A_279 = arith.constant 1 : i32
    %dma_start3A_280 = arith.constant 0 : i32
    %dma_start3A_281 = arith.constant 0 : i32
    %dma_start3A_282 = arith.constant 0 : i32
    %dma_start3A_283 = tpu.memref_slice %arg6[%dma_start3A_279, %dma_start3A_280, %dma_start3A_281, %dma_start3A_282] : memref<2x64x1x768xf32, #tpu.memory_space<vmem>> -> memref<1x64x1x768xf32, #tpu.memory_space<vmem>>
    %dma_start3A_284 = tpu.memref_squeeze %dma_start3A_283 : memref<1x64x1x768xf32, #tpu.memory_space<vmem>> -> memref<64x1x768xf32, #tpu.memory_space<vmem>>
    %dma_start3A_285 = arith.constant 0 : i32
    %dma_start3A_286 = arith.constant 0 : i32
    %dma_start3A_287 = tpu.memref_slice %arg4[%select_n3A, %add3A_278, %dma_start3A_285, %dma_start3A_286] : memref<4x8192x1x768xf32, #tpu.memory_space<hbm>> -> memref<1x64x1x768xf32, #tpu.memory_space<hbm>>
    %dma_start3A_288 = tpu.memref_squeeze %dma_start3A_287 : memref<1x64x1x768xf32, #tpu.memory_space<hbm>> -> memref<64x1x768xf32, #tpu.memory_space<hbm>>
    %dma_start3A_289 = arith.constant 0 : i32
    %dma_start3A_290 = arith.constant 0 : i32
    %dma_start3A_291 = tpu.memref_slice %arg4[%select_n3A, %add3A_278, %dma_start3A_289, %dma_start3A_290] : memref<4x8192x1x768xf32, #tpu.memory_space<hbm>> -> memref<1x64x1x768xf32, #tpu.memory_space<hbm>>
    %dma_start3A_292 = tpu.memref_squeeze %dma_start3A_291 : memref<1x64x1x768xf32, #tpu.memory_space<hbm>> -> memref<64x1x768xf32, #tpu.memory_space<hbm>>
    %dma_start3A_293 = arith.constant 0 : i32
    %dma_start3A_294 = arith.constant 0 : i32
    %dma_start3A_295 = arith.constant 0 : i32
    %dma_start3A_296 = tpu.memref_slice %arg6[%dma_start3A_279, %dma_start3A_293, %dma_start3A_294, %dma_start3A_295] : memref<2x64x1x768xf32, #tpu.memory_space<vmem>> -> memref<1x64x1x768xf32, #tpu.memory_space<vmem>>
    %dma_start3A_297 = tpu.memref_squeeze %dma_start3A_296 : memref<1x64x1x768xf32, #tpu.memory_space<vmem>> -> memref<64x1x768xf32, #tpu.memory_space<vmem>>
    tpu.enqueue_dma source(%dma_start3A_297 : memref<64x1x768xf32, #tpu.memory_space<vmem>>) target(%dma_start3A_292 : memref<64x1x768xf32, #tpu.memory_space<hbm>>) target_semaphore(%arg10 : memref<!tpu.dma_semaphore, #tpu.memory_space<semaphore_mem>>)
    %dma_wait3A_298 = arith.constant 1 : i32
    %dma_wait3A_299 = arith.constant 0 : i32
    %dma_wait3A_300 = arith.constant 0 : i32
    %dma_wait3A_301 = arith.constant 0 : i32
    %dma_wait3A_302 = tpu.memref_slice %arg6[%dma_wait3A_298, %dma_wait3A_299, %dma_wait3A_300, %dma_wait3A_301] : memref<2x64x1x768xf32, #tpu.memory_space<vmem>> -> memref<1x64x1x768xf32, #tpu.memory_space<vmem>>
    %dma_wait3A_303 = tpu.memref_squeeze %dma_wait3A_302 : memref<1x64x1x768xf32, #tpu.memory_space<vmem>> -> memref<64x1x768xf32, #tpu.memory_space<vmem>>
    %dma_wait3A_304 = arith.constant 0 : i32
    %dma_wait3A_305 = arith.constant 0 : i32
    %dma_wait3A_306 = tpu.memref_slice %arg4[%select_n3A, %add3A_278, %dma_wait3A_304, %dma_wait3A_305] : memref<4x8192x1x768xf32, #tpu.memory_space<hbm>> -> memref<1x64x1x768xf32, #tpu.memory_space<hbm>>
    %dma_wait3A_307 = tpu.memref_squeeze %dma_wait3A_306 : memref<1x64x1x768xf32, #tpu.memory_space<hbm>> -> memref<64x1x768xf32, #tpu.memory_space<hbm>>
    %dma_wait3A_308 = arith.constant 0 : i32
    %dma_wait3A_309 = arith.constant 0 : i32
    %dma_wait3A_310 = tpu.memref_slice %arg4[%select_n3A, %add3A_278, %dma_wait3A_308, %dma_wait3A_309] : memref<4x8192x1x768xf32, #tpu.memory_space<hbm>> -> memref<1x64x1x768xf32, #tpu.memory_space<hbm>>
    %dma_wait3A_311 = tpu.memref_squeeze %dma_wait3A_310 : memref<1x64x1x768xf32, #tpu.memory_space<hbm>> -> memref<64x1x768xf32, #tpu.memory_space<hbm>>
    %dma_wait3A_312 = arith.constant 0 : i32
    %dma_wait3A_313 = arith.constant 0 : i32
    %dma_wait3A_314 = arith.constant 0 : i32
    %dma_wait3A_315 = tpu.memref_slice %arg6[%dma_wait3A_298, %dma_wait3A_312, %dma_wait3A_313, %dma_wait3A_314] : memref<2x64x1x768xf32, #tpu.memory_space<vmem>> -> memref<1x64x1x768xf32, #tpu.memory_space<vmem>>
    %dma_wait3A_316 = tpu.memref_squeeze %dma_wait3A_315 : memref<1x64x1x768xf32, #tpu.memory_space<vmem>> -> memref<64x1x768xf32, #tpu.memory_space<vmem>>
    tpu.wait_dma2 semaphore(%arg10 : memref<!tpu.dma_semaphore, #tpu.memory_space<semaphore_mem>>) src(%dma_wait3A_316 : memref<64x1x768xf32, #tpu.memory_space<vmem>>) dst(%dma_wait3A_311 : memref<64x1x768xf32, #tpu.memory_space<hbm>>)
    %dma_start3A_317 = arith.constant 5 : i32
    %dma_start3A_318 = arith.constant 1 : i32
    %dma_start3A_319 = arith.constant 0 : i32
    %dma_start3A_320 = arith.constant 0 : i32
    %dma_start3A_321 = arith.constant 0 : i32
    %dma_start3A_322 = tpu.memref_slice %arg6[%dma_start3A_318, %dma_start3A_319, %dma_start3A_320, %dma_start3A_321] : memref<2x64x1x768xf32, #tpu.memory_space<vmem>> -> memref<1x64x1x768xf32, #tpu.memory_space<vmem>>
    %dma_start3A_323 = tpu.memref_squeeze %dma_start3A_322 : memref<1x64x1x768xf32, #tpu.memory_space<vmem>> -> memref<64x1x768xf32, #tpu.memory_space<vmem>>
    %dma_start3A_324 = arith.constant 0 : i32
    %dma_start3A_325 = tpu.memref_slice %arg5[%dma_start3A_317, %dma_start3A_324] : memref<16x64xi32, #tpu.memory_space<vmem>> -> memref<1x64xi32, #tpu.memory_space<vmem>>
    %dma_start3A_326 = tpu.memref_squeeze %dma_start3A_325 : memref<1x64xi32, #tpu.memory_space<vmem>> -> memref<64xi32, #tpu.memory_space<vmem>>
    %dma_start3A_327 = arith.constant 0 : i32
    %dma_start3A_328 = arith.constant 0 : i32
    %dma_start3A_329 = arith.constant 0 : i32
    %dma_start3A_330 = tpu.memref_slice %arg3[%dma_start3A_327, %dma_start3A_328, %dma_start3A_329] : memref<8192x1x768xf32, #tpu.memory_space<hbm>> -> memref<8192x1x768xf32, #tpu.memory_space<hbm>>
    tpu.enqueue_indirect_dma source(%dma_start3A_330 : memref<8192x1x768xf32, #tpu.memory_space<hbm>>) target(%dma_start3A_323 : memref<64x1x768xf32, #tpu.memory_space<vmem>>) offsets(%dma_start3A_326 : memref<64xi32, #tpu.memory_space<vmem>>) semaphore(%arg8 : memref<!tpu.dma_semaphore, #tpu.memory_space<semaphore_mem>>)
    %dma_wait3A_331 = arith.constant 4 : i32
    %dma_wait3A_332 = arith.constant 0 : i32
    %dma_wait3A_333 = arith.constant 0 : i32
    %dma_wait3A_334 = arith.constant 0 : i32
    %dma_wait3A_335 = arith.constant 0 : i32
    %dma_wait3A_336 = tpu.memref_slice %arg6[%dma_wait3A_332, %dma_wait3A_333, %dma_wait3A_334, %dma_wait3A_335] : memref<2x64x1x768xf32, #tpu.memory_space<vmem>> -> memref<1x64x1x768xf32, #tpu.memory_space<vmem>>
    %dma_wait3A_337 = tpu.memref_squeeze %dma_wait3A_336 : memref<1x64x1x768xf32, #tpu.memory_space<vmem>> -> memref<64x1x768xf32, #tpu.memory_space<vmem>>
    %dma_wait3A_338 = arith.constant 0 : i32
    %dma_wait3A_339 = tpu.memref_slice %arg5[%dma_wait3A_331, %dma_wait3A_338] : memref<16x64xi32, #tpu.memory_space<vmem>> -> memref<1x64xi32, #tpu.memory_space<vmem>>
    %dma_wait3A_340 = tpu.memref_squeeze %dma_wait3A_339 : memref<1x64xi32, #tpu.memory_space<vmem>> -> memref<64xi32, #tpu.memory_space<vmem>>
    %dma_wait3A_341 = arith.constant 0 : i32
    %dma_wait3A_342 = arith.constant 0 : i32
    %dma_wait3A_343 = arith.constant 0 : i32
    %dma_wait3A_344 = tpu.memref_slice %arg3[%dma_wait3A_341, %dma_wait3A_342, %dma_wait3A_343] : memref<8192x1x768xf32, #tpu.memory_space<hbm>> -> memref<8192x1x768xf32, #tpu.memory_space<hbm>>
    tpu.wait_indirect_dma semaphore(%arg7 : memref<!tpu.dma_semaphore, #tpu.memory_space<semaphore_mem>>) src(%dma_wait3A_344 : memref<8192x1x768xf32, #tpu.memory_space<hbm>>) dst(%dma_wait3A_337 : memref<64x1x768xf32, #tpu.memory_space<vmem>>)
    %add3A_345 = arith.constant 256 : i32
    %add3A_346 = arith.addi %mul3A_32, %add3A_345 : i32
    %dma_start3A_347 = arith.constant 0 : i32
    %dma_start3A_348 = arith.constant 0 : i32
    %dma_start3A_349 = arith.constant 0 : i32
    %dma_start3A_350 = arith.constant 0 : i32
    %dma_start3A_351 = tpu.memref_slice %arg6[%dma_start3A_347, %dma_start3A_348, %dma_start3A_349, %dma_start3A_350] : memref<2x64x1x768xf32, #tpu.memory_space<vmem>> -> memref<1x64x1x768xf32, #tpu.memory_space<vmem>>
    %dma_start3A_352 = tpu.memref_squeeze %dma_start3A_351 : memref<1x64x1x768xf32, #tpu.memory_space<vmem>> -> memref<64x1x768xf32, #tpu.memory_space<vmem>>
    %dma_start3A_353 = arith.constant 0 : i32
    %dma_start3A_354 = arith.constant 0 : i32
    %dma_start3A_355 = tpu.memref_slice %arg4[%select_n3A, %add3A_346, %dma_start3A_353, %dma_start3A_354] : memref<4x8192x1x768xf32, #tpu.memory_space<hbm>> -> memref<1x64x1x768xf32, #tpu.memory_space<hbm>>
    %dma_start3A_356 = tpu.memref_squeeze %dma_start3A_355 : memref<1x64x1x768xf32, #tpu.memory_space<hbm>> -> memref<64x1x768xf32, #tpu.memory_space<hbm>>
    %dma_start3A_357 = arith.constant 0 : i32
    %dma_start3A_358 = arith.constant 0 : i32
    %dma_start3A_359 = tpu.memref_slice %arg4[%select_n3A, %add3A_346, %dma_start3A_357, %dma_start3A_358] : memref<4x8192x1x768xf32, #tpu.memory_space<hbm>> -> memref<1x64x1x768xf32, #tpu.memory_space<hbm>>
    %dma_start3A_360 = tpu.memref_squeeze %dma_start3A_359 : memref<1x64x1x768xf32, #tpu.memory_space<hbm>> -> memref<64x1x768xf32, #tpu.memory_space<hbm>>
    %dma_start3A_361 = arith.constant 0 : i32
    %dma_start3A_362 = arith.constant 0 : i32
    %dma_start3A_363 = arith.constant 0 : i32
    %dma_start3A_364 = tpu.memref_slice %arg6[%dma_start3A_347, %dma_start3A_361, %dma_start3A_362, %dma_start3A_363] : memref<2x64x1x768xf32, #tpu.memory_space<vmem>> -> memref<1x64x1x768xf32, #tpu.memory_space<vmem>>
    %dma_start3A_365 = tpu.memref_squeeze %dma_start3A_364 : memref<1x64x1x768xf32, #tpu.memory_space<vmem>> -> memref<64x1x768xf32, #tpu.memory_space<vmem>>
    tpu.enqueue_dma source(%dma_start3A_365 : memref<64x1x768xf32, #tpu.memory_space<vmem>>) target(%dma_start3A_360 : memref<64x1x768xf32, #tpu.memory_space<hbm>>) target_semaphore(%arg9 : memref<!tpu.dma_semaphore, #tpu.memory_space<semaphore_mem>>)
    %dma_wait3A_366 = arith.constant 0 : i32
    %dma_wait3A_367 = arith.constant 0 : i32
    %dma_wait3A_368 = arith.constant 0 : i32
    %dma_wait3A_369 = arith.constant 0 : i32
    %dma_wait3A_370 = tpu.memref_slice %arg6[%dma_wait3A_366, %dma_wait3A_367, %dma_wait3A_368, %dma_wait3A_369] : memref<2x64x1x768xf32, #tpu.memory_space<vmem>> -> memref<1x64x1x768xf32, #tpu.memory_space<vmem>>
    %dma_wait3A_371 = tpu.memref_squeeze %dma_wait3A_370 : memref<1x64x1x768xf32, #tpu.memory_space<vmem>> -> memref<64x1x768xf32, #tpu.memory_space<vmem>>
    %dma_wait3A_372 = arith.constant 0 : i32
    %dma_wait3A_373 = arith.constant 0 : i32
    %dma_wait3A_374 = tpu.memref_slice %arg4[%select_n3A, %add3A_346, %dma_wait3A_372, %dma_wait3A_373] : memref<4x8192x1x768xf32, #tpu.memory_space<hbm>> -> memref<1x64x1x768xf32, #tpu.memory_space<hbm>>
    %dma_wait3A_375 = tpu.memref_squeeze %dma_wait3A_374 : memref<1x64x1x768xf32, #tpu.memory_space<hbm>> -> memref<64x1x768xf32, #tpu.memory_space<hbm>>
    %dma_wait3A_376 = arith.constant 0 : i32
    %dma_wait3A_377 = arith.constant 0 : i32
    %dma_wait3A_378 = tpu.memref_slice %arg4[%select_n3A, %add3A_346, %dma_wait3A_376, %dma_wait3A_377] : memref<4x8192x1x768xf32, #tpu.memory_space<hbm>> -> memref<1x64x1x768xf32, #tpu.memory_space<hbm>>
    %dma_wait3A_379 = tpu.memref_squeeze %dma_wait3A_378 : memref<1x64x1x768xf32, #tpu.memory_space<hbm>> -> memref<64x1x768xf32, #tpu.memory_space<hbm>>
    %dma_wait3A_380 = arith.constant 0 : i32
    %dma_wait3A_381 = arith.constant 0 : i32
    %dma_wait3A_382 = arith.constant 0 : i32
    %dma_wait3A_383 = tpu.memref_slice %arg6[%dma_wait3A_366, %dma_wait3A_380, %dma_wait3A_381, %dma_wait3A_382] : memref<2x64x1x768xf32, #tpu.memory_space<vmem>> -> memref<1x64x1x768xf32, #tpu.memory_space<vmem>>
    %dma_wait3A_384 = tpu.memref_squeeze %dma_wait3A_383 : memref<1x64x1x768xf32, #tpu.memory_space<vmem>> -> memref<64x1x768xf32, #tpu.memory_space<vmem>>
    tpu.wait_dma2 semaphore(%arg9 : memref<!tpu.dma_semaphore, #tpu.memory_space<semaphore_mem>>) src(%dma_wait3A_384 : memref<64x1x768xf32, #tpu.memory_space<vmem>>) dst(%dma_wait3A_379 : memref<64x1x768xf32, #tpu.memory_space<hbm>>)
    %dma_start3A_385 = arith.constant 6 : i32
    %dma_start3A_386 = arith.constant 0 : i32
    %dma_start3A_387 = arith.constant 0 : i32
    %dma_start3A_388 = arith.constant 0 : i32
    %dma_start3A_389 = arith.constant 0 : i32
    %dma_start3A_390 = tpu.memref_slice %arg6[%dma_start3A_386, %dma_start3A_387, %dma_start3A_388, %dma_start3A_389] : memref<2x64x1x768xf32, #tpu.memory_space<vmem>> -> memref<1x64x1x768xf32, #tpu.memory_space<vmem>>
    %dma_start3A_391 = tpu.memref_squeeze %dma_start3A_390 : memref<1x64x1x768xf32, #tpu.memory_space<vmem>> -> memref<64x1x768xf32, #tpu.memory_space<vmem>>
    %dma_start3A_392 = arith.constant 0 : i32
    %dma_start3A_393 = tpu.memref_slice %arg5[%dma_start3A_385, %dma_start3A_392] : memref<16x64xi32, #tpu.memory_space<vmem>> -> memref<1x64xi32, #tpu.memory_space<vmem>>
    %dma_start3A_394 = tpu.memref_squeeze %dma_start3A_393 : memref<1x64xi32, #tpu.memory_space<vmem>> -> memref<64xi32, #tpu.memory_space<vmem>>
    %dma_start3A_395 = arith.constant 0 : i32
    %dma_start3A_396 = arith.constant 0 : i32
    %dma_start3A_397 = arith.constant 0 : i32
    %dma_start3A_398 = tpu.memref_slice %arg3[%dma_start3A_395, %dma_start3A_396, %dma_start3A_397] : memref<8192x1x768xf32, #tpu.memory_space<hbm>> -> memref<8192x1x768xf32, #tpu.memory_space<hbm>>
    tpu.enqueue_indirect_dma source(%dma_start3A_398 : memref<8192x1x768xf32, #tpu.memory_space<hbm>>) target(%dma_start3A_391 : memref<64x1x768xf32, #tpu.memory_space<vmem>>) offsets(%dma_start3A_394 : memref<64xi32, #tpu.memory_space<vmem>>) semaphore(%arg7 : memref<!tpu.dma_semaphore, #tpu.memory_space<semaphore_mem>>)
    %dma_wait3A_399 = arith.constant 5 : i32
    %dma_wait3A_400 = arith.constant 1 : i32
    %dma_wait3A_401 = arith.constant 0 : i32
    %dma_wait3A_402 = arith.constant 0 : i32
    %dma_wait3A_403 = arith.constant 0 : i32
    %dma_wait3A_404 = tpu.memref_slice %arg6[%dma_wait3A_400, %dma_wait3A_401, %dma_wait3A_402, %dma_wait3A_403] : memref<2x64x1x768xf32, #tpu.memory_space<vmem>> -> memref<1x64x1x768xf32, #tpu.memory_space<vmem>>
    %dma_wait3A_405 = tpu.memref_squeeze %dma_wait3A_404 : memref<1x64x1x768xf32, #tpu.memory_space<vmem>> -> memref<64x1x768xf32, #tpu.memory_space<vmem>>
    %dma_wait3A_406 = arith.constant 0 : i32
    %dma_wait3A_407 = tpu.memref_slice %arg5[%dma_wait3A_399, %dma_wait3A_406] : memref<16x64xi32, #tpu.memory_space<vmem>> -> memref<1x64xi32, #tpu.memory_space<vmem>>
    %dma_wait3A_408 = tpu.memref_squeeze %dma_wait3A_407 : memref<1x64xi32, #tpu.memory_space<vmem>> -> memref<64xi32, #tpu.memory_space<vmem>>
    %dma_wait3A_409 = arith.constant 0 : i32
    %dma_wait3A_410 = arith.constant 0 : i32
    %dma_wait3A_411 = arith.constant 0 : i32
    %dma_wait3A_412 = tpu.memref_slice %arg3[%dma_wait3A_409, %dma_wait3A_410, %dma_wait3A_411] : memref<8192x1x768xf32, #tpu.memory_space<hbm>> -> memref<8192x1x768xf32, #tpu.memory_space<hbm>>
    tpu.wait_indirect_dma semaphore(%arg8 : memref<!tpu.dma_semaphore, #tpu.memory_space<semaphore_mem>>) src(%dma_wait3A_412 : memref<8192x1x768xf32, #tpu.memory_space<hbm>>) dst(%dma_wait3A_405 : memref<64x1x768xf32, #tpu.memory_space<vmem>>)
    %add3A_413 = arith.constant 320 : i32
    %add3A_414 = arith.addi %mul3A_32, %add3A_413 : i32
    %dma_start3A_415 = arith.constant 1 : i32
    %dma_start3A_416 = arith.constant 0 : i32
    %dma_start3A_417 = arith.constant 0 : i32
    %dma_start3A_418 = arith.constant 0 : i32
    %dma_start3A_419 = tpu.memref_slice %arg6[%dma_start3A_415, %dma_start3A_416, %dma_start3A_417, %dma_start3A_418] : memref<2x64x1x768xf32, #tpu.memory_space<vmem>> -> memref<1x64x1x768xf32, #tpu.memory_space<vmem>>
    %dma_start3A_420 = tpu.memref_squeeze %dma_start3A_419 : memref<1x64x1x768xf32, #tpu.memory_space<vmem>> -> memref<64x1x768xf32, #tpu.memory_space<vmem>>
    %dma_start3A_421 = arith.constant 0 : i32
    %dma_start3A_422 = arith.constant 0 : i32
    %dma_start3A_423 = tpu.memref_slice %arg4[%select_n3A, %add3A_414, %dma_start3A_421, %dma_start3A_422] : memref<4x8192x1x768xf32, #tpu.memory_space<hbm>> -> memref<1x64x1x768xf32, #tpu.memory_space<hbm>>
    %dma_start3A_424 = tpu.memref_squeeze %dma_start3A_423 : memref<1x64x1x768xf32, #tpu.memory_space<hbm>> -> memref<64x1x768xf32, #tpu.memory_space<hbm>>
    %dma_start3A_425 = arith.constant 0 : i32
    %dma_start3A_426 = arith.constant 0 : i32
    %dma_start3A_427 = tpu.memref_slice %arg4[%select_n3A, %add3A_414, %dma_start3A_425, %dma_start3A_426] : memref<4x8192x1x768xf32, #tpu.memory_space<hbm>> -> memref<1x64x1x768xf32, #tpu.memory_space<hbm>>
    %dma_start3A_428 = tpu.memref_squeeze %dma_start3A_427 : memref<1x64x1x768xf32, #tpu.memory_space<hbm>> -> memref<64x1x768xf32, #tpu.memory_space<hbm>>
    %dma_start3A_429 = arith.constant 0 : i32
    %dma_start3A_430 = arith.constant 0 : i32
    %dma_start3A_431 = arith.constant 0 : i32
    %dma_start3A_432 = tpu.memref_slice %arg6[%dma_start3A_415, %dma_start3A_429, %dma_start3A_430, %dma_start3A_431] : memref<2x64x1x768xf32, #tpu.memory_space<vmem>> -> memref<1x64x1x768xf32, #tpu.memory_space<vmem>>
    %dma_start3A_433 = tpu.memref_squeeze %dma_start3A_432 : memref<1x64x1x768xf32, #tpu.memory_space<vmem>> -> memref<64x1x768xf32, #tpu.memory_space<vmem>>
    tpu.enqueue_dma source(%dma_start3A_433 : memref<64x1x768xf32, #tpu.memory_space<vmem>>) target(%dma_start3A_428 : memref<64x1x768xf32, #tpu.memory_space<hbm>>) target_semaphore(%arg10 : memref<!tpu.dma_semaphore, #tpu.memory_space<semaphore_mem>>)
    %dma_wait3A_434 = arith.constant 1 : i32
    %dma_wait3A_435 = arith.constant 0 : i32
    %dma_wait3A_436 = arith.constant 0 : i32
    %dma_wait3A_437 = arith.constant 0 : i32
    %dma_wait3A_438 = tpu.memref_slice %arg6[%dma_wait3A_434, %dma_wait3A_435, %dma_wait3A_436, %dma_wait3A_437] : memref<2x64x1x768xf32, #tpu.memory_space<vmem>> -> memref<1x64x1x768xf32, #tpu.memory_space<vmem>>
    %dma_wait3A_439 = tpu.memref_squeeze %dma_wait3A_438 : memref<1x64x1x768xf32, #tpu.memory_space<vmem>> -> memref<64x1x768xf32, #tpu.memory_space<vmem>>
    %dma_wait3A_440 = arith.constant 0 : i32
    %dma_wait3A_441 = arith.constant 0 : i32
    %dma_wait3A_442 = tpu.memref_slice %arg4[%select_n3A, %add3A_414, %dma_wait3A_440, %dma_wait3A_441] : memref<4x8192x1x768xf32, #tpu.memory_space<hbm>> -> memref<1x64x1x768xf32, #tpu.memory_space<hbm>>
    %dma_wait3A_443 = tpu.memref_squeeze %dma_wait3A_442 : memref<1x64x1x768xf32, #tpu.memory_space<hbm>> -> memref<64x1x768xf32, #tpu.memory_space<hbm>>
    %dma_wait3A_444 = arith.constant 0 : i32
    %dma_wait3A_445 = arith.constant 0 : i32
    %dma_wait3A_446 = tpu.memref_slice %arg4[%select_n3A, %add3A_414, %dma_wait3A_444, %dma_wait3A_445] : memref<4x8192x1x768xf32, #tpu.memory_space<hbm>> -> memref<1x64x1x768xf32, #tpu.memory_space<hbm>>
    %dma_wait3A_447 = tpu.memref_squeeze %dma_wait3A_446 : memref<1x64x1x768xf32, #tpu.memory_space<hbm>> -> memref<64x1x768xf32, #tpu.memory_space<hbm>>
    %dma_wait3A_448 = arith.constant 0 : i32
    %dma_wait3A_449 = arith.constant 0 : i32
    %dma_wait3A_450 = arith.constant 0 : i32
    %dma_wait3A_451 = tpu.memref_slice %arg6[%dma_wait3A_434, %dma_wait3A_448, %dma_wait3A_449, %dma_wait3A_450] : memref<2x64x1x768xf32, #tpu.memory_space<vmem>> -> memref<1x64x1x768xf32, #tpu.memory_space<vmem>>
    %dma_wait3A_452 = tpu.memref_squeeze %dma_wait3A_451 : memref<1x64x1x768xf32, #tpu.memory_space<vmem>> -> memref<64x1x768xf32, #tpu.memory_space<vmem>>
    tpu.wait_dma2 semaphore(%arg10 : memref<!tpu.dma_semaphore, #tpu.memory_space<semaphore_mem>>) src(%dma_wait3A_452 : memref<64x1x768xf32, #tpu.memory_space<vmem>>) dst(%dma_wait3A_447 : memref<64x1x768xf32, #tpu.memory_space<hbm>>)
    %dma_start3A_453 = arith.constant 7 : i32
    %dma_start3A_454 = arith.constant 1 : i32
    %dma_start3A_455 = arith.constant 0 : i32
    %dma_start3A_456 = arith.constant 0 : i32
    %dma_start3A_457 = arith.constant 0 : i32
    %dma_start3A_458 = tpu.memref_slice %arg6[%dma_start3A_454, %dma_start3A_455, %dma_start3A_456, %dma_start3A_457] : memref<2x64x1x768xf32, #tpu.memory_space<vmem>> -> memref<1x64x1x768xf32, #tpu.memory_space<vmem>>
    %dma_start3A_459 = tpu.memref_squeeze %dma_start3A_458 : memref<1x64x1x768xf32, #tpu.memory_space<vmem>> -> memref<64x1x768xf32, #tpu.memory_space<vmem>>
    %dma_start3A_460 = arith.constant 0 : i32
    %dma_start3A_461 = tpu.memref_slice %arg5[%dma_start3A_453, %dma_start3A_460] : memref<16x64xi32, #tpu.memory_space<vmem>> -> memref<1x64xi32, #tpu.memory_space<vmem>>
    %dma_start3A_462 = tpu.memref_squeeze %dma_start3A_461 : memref<1x64xi32, #tpu.memory_space<vmem>> -> memref<64xi32, #tpu.memory_space<vmem>>
    %dma_start3A_463 = arith.constant 0 : i32
    %dma_start3A_464 = arith.constant 0 : i32
    %dma_start3A_465 = arith.constant 0 : i32
    %dma_start3A_466 = tpu.memref_slice %arg3[%dma_start3A_463, %dma_start3A_464, %dma_start3A_465] : memref<8192x1x768xf32, #tpu.memory_space<hbm>> -> memref<8192x1x768xf32, #tpu.memory_space<hbm>>
    tpu.enqueue_indirect_dma source(%dma_start3A_466 : memref<8192x1x768xf32, #tpu.memory_space<hbm>>) target(%dma_start3A_459 : memref<64x1x768xf32, #tpu.memory_space<vmem>>) offsets(%dma_start3A_462 : memref<64xi32, #tpu.memory_space<vmem>>) semaphore(%arg8 : memref<!tpu.dma_semaphore, #tpu.memory_space<semaphore_mem>>)
    %dma_wait3A_467 = arith.constant 6 : i32
    %dma_wait3A_468 = arith.constant 0 : i32
    %dma_wait3A_469 = arith.constant 0 : i32
    %dma_wait3A_470 = arith.constant 0 : i32
    %dma_wait3A_471 = arith.constant 0 : i32
    %dma_wait3A_472 = tpu.memref_slice %arg6[%dma_wait3A_468, %dma_wait3A_469, %dma_wait3A_470, %dma_wait3A_471] : memref<2x64x1x768xf32, #tpu.memory_space<vmem>> -> memref<1x64x1x768xf32, #tpu.memory_space<vmem>>
    %dma_wait3A_473 = tpu.memref_squeeze %dma_wait3A_472 : memref<1x64x1x768xf32, #tpu.memory_space<vmem>> -> memref<64x1x768xf32, #tpu.memory_space<vmem>>
    %dma_wait3A_474 = arith.constant 0 : i32
    %dma_wait3A_475 = tpu.memref_slice %arg5[%dma_wait3A_467, %dma_wait3A_474] : memref<16x64xi32, #tpu.memory_space<vmem>> -> memref<1x64xi32, #tpu.memory_space<vmem>>
    %dma_wait3A_476 = tpu.memref_squeeze %dma_wait3A_475 : memref<1x64xi32, #tpu.memory_space<vmem>> -> memref<64xi32, #tpu.memory_space<vmem>>
    %dma_wait3A_477 = arith.constant 0 : i32
    %dma_wait3A_478 = arith.constant 0 : i32
    %dma_wait3A_479 = arith.constant 0 : i32
    %dma_wait3A_480 = tpu.memref_slice %arg3[%dma_wait3A_477, %dma_wait3A_478, %dma_wait3A_479] : memref<8192x1x768xf32, #tpu.memory_space<hbm>> -> memref<8192x1x768xf32, #tpu.memory_space<hbm>>
    tpu.wait_indirect_dma semaphore(%arg7 : memref<!tpu.dma_semaphore, #tpu.memory_space<semaphore_mem>>) src(%dma_wait3A_480 : memref<8192x1x768xf32, #tpu.memory_space<hbm>>) dst(%dma_wait3A_473 : memref<64x1x768xf32, #tpu.memory_space<vmem>>)
    %add3A_481 = arith.constant 384 : i32
    %add3A_482 = arith.addi %mul3A_32, %add3A_481 : i32
    %dma_start3A_483 = arith.constant 0 : i32
    %dma_start3A_484 = arith.constant 0 : i32
    %dma_start3A_485 = arith.constant 0 : i32
    %dma_start3A_486 = arith.constant 0 : i32
    %dma_start3A_487 = tpu.memref_slice %arg6[%dma_start3A_483, %dma_start3A_484, %dma_start3A_485, %dma_start3A_486] : memref<2x64x1x768xf32, #tpu.memory_space<vmem>> -> memref<1x64x1x768xf32, #tpu.memory_space<vmem>>
    %dma_start3A_488 = tpu.memref_squeeze %dma_start3A_487 : memref<1x64x1x768xf32, #tpu.memory_space<vmem>> -> memref<64x1x768xf32, #tpu.memory_space<vmem>>
    %dma_start3A_489 = arith.constant 0 : i32
    %dma_start3A_490 = arith.constant 0 : i32
    %dma_start3A_491 = tpu.memref_slice %arg4[%select_n3A, %add3A_482, %dma_start3A_489, %dma_start3A_490] : memref<4x8192x1x768xf32, #tpu.memory_space<hbm>> -> memref<1x64x1x768xf32, #tpu.memory_space<hbm>>
    %dma_start3A_492 = tpu.memref_squeeze %dma_start3A_491 : memref<1x64x1x768xf32, #tpu.memory_space<hbm>> -> memref<64x1x768xf32, #tpu.memory_space<hbm>>
    %dma_start3A_493 = arith.constant 0 : i32
    %dma_start3A_494 = arith.constant 0 : i32
    %dma_start3A_495 = tpu.memref_slice %arg4[%select_n3A, %add3A_482, %dma_start3A_493, %dma_start3A_494] : memref<4x8192x1x768xf32, #tpu.memory_space<hbm>> -> memref<1x64x1x768xf32, #tpu.memory_space<hbm>>
    %dma_start3A_496 = tpu.memref_squeeze %dma_start3A_495 : memref<1x64x1x768xf32, #tpu.memory_space<hbm>> -> memref<64x1x768xf32, #tpu.memory_space<hbm>>
    %dma_start3A_497 = arith.constant 0 : i32
    %dma_start3A_498 = arith.constant 0 : i32
    %dma_start3A_499 = arith.constant 0 : i32
    %dma_start3A_500 = tpu.memref_slice %arg6[%dma_start3A_483, %dma_start3A_497, %dma_start3A_498, %dma_start3A_499] : memref<2x64x1x768xf32, #tpu.memory_space<vmem>> -> memref<1x64x1x768xf32, #tpu.memory_space<vmem>>
    %dma_start3A_501 = tpu.memref_squeeze %dma_start3A_500 : memref<1x64x1x768xf32, #tpu.memory_space<vmem>> -> memref<64x1x768xf32, #tpu.memory_space<vmem>>
    tpu.enqueue_dma source(%dma_start3A_501 : memref<64x1x768xf32, #tpu.memory_space<vmem>>) target(%dma_start3A_496 : memref<64x1x768xf32, #tpu.memory_space<hbm>>) target_semaphore(%arg9 : memref<!tpu.dma_semaphore, #tpu.memory_space<semaphore_mem>>)
    %dma_wait3A_502 = arith.constant 0 : i32
    %dma_wait3A_503 = arith.constant 0 : i32
    %dma_wait3A_504 = arith.constant 0 : i32
    %dma_wait3A_505 = arith.constant 0 : i32
    %dma_wait3A_506 = tpu.memref_slice %arg6[%dma_wait3A_502, %dma_wait3A_503, %dma_wait3A_504, %dma_wait3A_505] : memref<2x64x1x768xf32, #tpu.memory_space<vmem>> -> memref<1x64x1x768xf32, #tpu.memory_space<vmem>>
    %dma_wait3A_507 = tpu.memref_squeeze %dma_wait3A_506 : memref<1x64x1x768xf32, #tpu.memory_space<vmem>> -> memref<64x1x768xf32, #tpu.memory_space<vmem>>
    %dma_wait3A_508 = arith.constant 0 : i32
    %dma_wait3A_509 = arith.constant 0 : i32
    %dma_wait3A_510 = tpu.memref_slice %arg4[%select_n3A, %add3A_482, %dma_wait3A_508, %dma_wait3A_509] : memref<4x8192x1x768xf32, #tpu.memory_space<hbm>> -> memref<1x64x1x768xf32, #tpu.memory_space<hbm>>
    %dma_wait3A_511 = tpu.memref_squeeze %dma_wait3A_510 : memref<1x64x1x768xf32, #tpu.memory_space<hbm>> -> memref<64x1x768xf32, #tpu.memory_space<hbm>>
    %dma_wait3A_512 = arith.constant 0 : i32
    %dma_wait3A_513 = arith.constant 0 : i32
    %dma_wait3A_514 = tpu.memref_slice %arg4[%select_n3A, %add3A_482, %dma_wait3A_512, %dma_wait3A_513] : memref<4x8192x1x768xf32, #tpu.memory_space<hbm>> -> memref<1x64x1x768xf32, #tpu.memory_space<hbm>>
    %dma_wait3A_515 = tpu.memref_squeeze %dma_wait3A_514 : memref<1x64x1x768xf32, #tpu.memory_space<hbm>> -> memref<64x1x768xf32, #tpu.memory_space<hbm>>
    %dma_wait3A_516 = arith.constant 0 : i32
    %dma_wait3A_517 = arith.constant 0 : i32
    %dma_wait3A_518 = arith.constant 0 : i32
    %dma_wait3A_519 = tpu.memref_slice %arg6[%dma_wait3A_502, %dma_wait3A_516, %dma_wait3A_517, %dma_wait3A_518] : memref<2x64x1x768xf32, #tpu.memory_space<vmem>> -> memref<1x64x1x768xf32, #tpu.memory_space<vmem>>
    %dma_wait3A_520 = tpu.memref_squeeze %dma_wait3A_519 : memref<1x64x1x768xf32, #tpu.memory_space<vmem>> -> memref<64x1x768xf32, #tpu.memory_space<vmem>>
    tpu.wait_dma2 semaphore(%arg9 : memref<!tpu.dma_semaphore, #tpu.memory_space<semaphore_mem>>) src(%dma_wait3A_520 : memref<64x1x768xf32, #tpu.memory_space<vmem>>) dst(%dma_wait3A_515 : memref<64x1x768xf32, #tpu.memory_space<hbm>>)
    %dma_start3A_521 = arith.constant 8 : i32
    %dma_start3A_522 = arith.constant 0 : i32
    %dma_start3A_523 = arith.constant 0 : i32
    %dma_start3A_524 = arith.constant 0 : i32
    %dma_start3A_525 = arith.constant 0 : i32
    %dma_start3A_526 = tpu.memref_slice %arg6[%dma_start3A_522, %dma_start3A_523, %dma_start3A_524, %dma_start3A_525] : memref<2x64x1x768xf32, #tpu.memory_space<vmem>> -> memref<1x64x1x768xf32, #tpu.memory_space<vmem>>
    %dma_start3A_527 = tpu.memref_squeeze %dma_start3A_526 : memref<1x64x1x768xf32, #tpu.memory_space<vmem>> -> memref<64x1x768xf32, #tpu.memory_space<vmem>>
    %dma_start3A_528 = arith.constant 0 : i32
    %dma_start3A_529 = tpu.memref_slice %arg5[%dma_start3A_521, %dma_start3A_528] : memref<16x64xi32, #tpu.memory_space<vmem>> -> memref<1x64xi32, #tpu.memory_space<vmem>>
    %dma_start3A_530 = tpu.memref_squeeze %dma_start3A_529 : memref<1x64xi32, #tpu.memory_space<vmem>> -> memref<64xi32, #tpu.memory_space<vmem>>
    %dma_start3A_531 = arith.constant 0 : i32
    %dma_start3A_532 = arith.constant 0 : i32
    %dma_start3A_533 = arith.constant 0 : i32
    %dma_start3A_534 = tpu.memref_slice %arg3[%dma_start3A_531, %dma_start3A_532, %dma_start3A_533] : memref<8192x1x768xf32, #tpu.memory_space<hbm>> -> memref<8192x1x768xf32, #tpu.memory_space<hbm>>
    tpu.enqueue_indirect_dma source(%dma_start3A_534 : memref<8192x1x768xf32, #tpu.memory_space<hbm>>) target(%dma_start3A_527 : memref<64x1x768xf32, #tpu.memory_space<vmem>>) offsets(%dma_start3A_530 : memref<64xi32, #tpu.memory_space<vmem>>) semaphore(%arg7 : memref<!tpu.dma_semaphore, #tpu.memory_space<semaphore_mem>>)
    %dma_wait3A_535 = arith.constant 7 : i32
    %dma_wait3A_536 = arith.constant 1 : i32
    %dma_wait3A_537 = arith.constant 0 : i32
    %dma_wait3A_538 = arith.constant 0 : i32
    %dma_wait3A_539 = arith.constant 0 : i32
    %dma_wait3A_540 = tpu.memref_slice %arg6[%dma_wait3A_536, %dma_wait3A_537, %dma_wait3A_538, %dma_wait3A_539] : memref<2x64x1x768xf32, #tpu.memory_space<vmem>> -> memref<1x64x1x768xf32, #tpu.memory_space<vmem>>
    %dma_wait3A_541 = tpu.memref_squeeze %dma_wait3A_540 : memref<1x64x1x768xf32, #tpu.memory_space<vmem>> -> memref<64x1x768xf32, #tpu.memory_space<vmem>>
    %dma_wait3A_542 = arith.constant 0 : i32
    %dma_wait3A_543 = tpu.memref_slice %arg5[%dma_wait3A_535, %dma_wait3A_542] : memref<16x64xi32, #tpu.memory_space<vmem>> -> memref<1x64xi32, #tpu.memory_space<vmem>>
    %dma_wait3A_544 = tpu.memref_squeeze %dma_wait3A_543 : memref<1x64xi32, #tpu.memory_space<vmem>> -> memref<64xi32, #tpu.memory_space<vmem>>
    %dma_wait3A_545 = arith.constant 0 : i32
    %dma_wait3A_546 = arith.constant 0 : i32
    %dma_wait3A_547 = arith.constant 0 : i32
    %dma_wait3A_548 = tpu.memref_slice %arg3[%dma_wait3A_545, %dma_wait3A_546, %dma_wait3A_547] : memref<8192x1x768xf32, #tpu.memory_space<hbm>> -> memref<8192x1x768xf32, #tpu.memory_space<hbm>>
    tpu.wait_indirect_dma semaphore(%arg8 : memref<!tpu.dma_semaphore, #tpu.memory_space<semaphore_mem>>) src(%dma_wait3A_548 : memref<8192x1x768xf32, #tpu.memory_space<hbm>>) dst(%dma_wait3A_541 : memref<64x1x768xf32, #tpu.memory_space<vmem>>)
    %add3A_549 = arith.constant 448 : i32
    %add3A_550 = arith.addi %mul3A_32, %add3A_549 : i32
    %dma_start3A_551 = arith.constant 1 : i32
    %dma_start3A_552 = arith.constant 0 : i32
    %dma_start3A_553 = arith.constant 0 : i32
    %dma_start3A_554 = arith.constant 0 : i32
    %dma_start3A_555 = tpu.memref_slice %arg6[%dma_start3A_551, %dma_start3A_552, %dma_start3A_553, %dma_start3A_554] : memref<2x64x1x768xf32, #tpu.memory_space<vmem>> -> memref<1x64x1x768xf32, #tpu.memory_space<vmem>>
    %dma_start3A_556 = tpu.memref_squeeze %dma_start3A_555 : memref<1x64x1x768xf32, #tpu.memory_space<vmem>> -> memref<64x1x768xf32, #tpu.memory_space<vmem>>
    %dma_start3A_557 = arith.constant 0 : i32
    %dma_start3A_558 = arith.constant 0 : i32
    %dma_start3A_559 = tpu.memref_slice %arg4[%select_n3A, %add3A_550, %dma_start3A_557, %dma_start3A_558] : memref<4x8192x1x768xf32, #tpu.memory_space<hbm>> -> memref<1x64x1x768xf32, #tpu.memory_space<hbm>>
    %dma_start3A_560 = tpu.memref_squeeze %dma_start3A_559 : memref<1x64x1x768xf32, #tpu.memory_space<hbm>> -> memref<64x1x768xf32, #tpu.memory_space<hbm>>
    %dma_start3A_561 = arith.constant 0 : i32
    %dma_start3A_562 = arith.constant 0 : i32
    %dma_start3A_563 = tpu.memref_slice %arg4[%select_n3A, %add3A_550, %dma_start3A_561, %dma_start3A_562] : memref<4x8192x1x768xf32, #tpu.memory_space<hbm>> -> memref<1x64x1x768xf32, #tpu.memory_space<hbm>>
    %dma_start3A_564 = tpu.memref_squeeze %dma_start3A_563 : memref<1x64x1x768xf32, #tpu.memory_space<hbm>> -> memref<64x1x768xf32, #tpu.memory_space<hbm>>
    %dma_start3A_565 = arith.constant 0 : i32
    %dma_start3A_566 = arith.constant 0 : i32
    %dma_start3A_567 = arith.constant 0 : i32
    %dma_start3A_568 = tpu.memref_slice %arg6[%dma_start3A_551, %dma_start3A_565, %dma_start3A_566, %dma_start3A_567] : memref<2x64x1x768xf32, #tpu.memory_space<vmem>> -> memref<1x64x1x768xf32, #tpu.memory_space<vmem>>
    %dma_start3A_569 = tpu.memref_squeeze %dma_start3A_568 : memref<1x64x1x768xf32, #tpu.memory_space<vmem>> -> memref<64x1x768xf32, #tpu.memory_space<vmem>>
    tpu.enqueue_dma source(%dma_start3A_569 : memref<64x1x768xf32, #tpu.memory_space<vmem>>) target(%dma_start3A_564 : memref<64x1x768xf32, #tpu.memory_space<hbm>>) target_semaphore(%arg10 : memref<!tpu.dma_semaphore, #tpu.memory_space<semaphore_mem>>)
    %dma_wait3A_570 = arith.constant 1 : i32
    %dma_wait3A_571 = arith.constant 0 : i32
    %dma_wait3A_572 = arith.constant 0 : i32
    %dma_wait3A_573 = arith.constant 0 : i32
    %dma_wait3A_574 = tpu.memref_slice %arg6[%dma_wait3A_570, %dma_wait3A_571, %dma_wait3A_572, %dma_wait3A_573] : memref<2x64x1x768xf32, #tpu.memory_space<vmem>> -> memref<1x64x1x768xf32, #tpu.memory_space<vmem>>
    %dma_wait3A_575 = tpu.memref_squeeze %dma_wait3A_574 : memref<1x64x1x768xf32, #tpu.memory_space<vmem>> -> memref<64x1x768xf32, #tpu.memory_space<vmem>>
    %dma_wait3A_576 = arith.constant 0 : i32
    %dma_wait3A_577 = arith.constant 0 : i32
    %dma_wait3A_578 = tpu.memref_slice %arg4[%select_n3A, %add3A_550, %dma_wait3A_576, %dma_wait3A_577] : memref<4x8192x1x768xf32, #tpu.memory_space<hbm>> -> memref<1x64x1x768xf32, #tpu.memory_space<hbm>>
    %dma_wait3A_579 = tpu.memref_squeeze %dma_wait3A_578 : memref<1x64x1x768xf32, #tpu.memory_space<hbm>> -> memref<64x1x768xf32, #tpu.memory_space<hbm>>
    %dma_wait3A_580 = arith.constant 0 : i32
    %dma_wait3A_581 = arith.constant 0 : i32
    %dma_wait3A_582 = tpu.memref_slice %arg4[%select_n3A, %add3A_550, %dma_wait3A_580, %dma_wait3A_581] : memref<4x8192x1x768xf32, #tpu.memory_space<hbm>> -> memref<1x64x1x768xf32, #tpu.memory_space<hbm>>
    %dma_wait3A_583 = tpu.memref_squeeze %dma_wait3A_582 : memref<1x64x1x768xf32, #tpu.memory_space<hbm>> -> memref<64x1x768xf32, #tpu.memory_space<hbm>>
    %dma_wait3A_584 = arith.constant 0 : i32
    %dma_wait3A_585 = arith.constant 0 : i32
    %dma_wait3A_586 = arith.constant 0 : i32
    %dma_wait3A_587 = tpu.memref_slice %arg6[%dma_wait3A_570, %dma_wait3A_584, %dma_wait3A_585, %dma_wait3A_586] : memref<2x64x1x768xf32, #tpu.memory_space<vmem>> -> memref<1x64x1x768xf32, #tpu.memory_space<vmem>>
    %dma_wait3A_588 = tpu.memref_squeeze %dma_wait3A_587 : memref<1x64x1x768xf32, #tpu.memory_space<vmem>> -> memref<64x1x768xf32, #tpu.memory_space<vmem>>
    tpu.wait_dma2 semaphore(%arg10 : memref<!tpu.dma_semaphore, #tpu.memory_space<semaphore_mem>>) src(%dma_wait3A_588 : memref<64x1x768xf32, #tpu.memory_space<vmem>>) dst(%dma_wait3A_583 : memref<64x1x768xf32, #tpu.memory_space<hbm>>)
    %dma_start3A_589 = arith.constant 9 : i32
    %dma_start3A_590 = arith.constant 1 : i32
    %dma_start3A_591 = arith.constant 0 : i32
    %dma_start3A_592 = arith.constant 0 : i32
    %dma_start3A_593 = arith.constant 0 : i32
    %dma_start3A_594 = tpu.memref_slice %arg6[%dma_start3A_590, %dma_start3A_591, %dma_start3A_592, %dma_start3A_593] : memref<2x64x1x768xf32, #tpu.memory_space<vmem>> -> memref<1x64x1x768xf32, #tpu.memory_space<vmem>>
    %dma_start3A_595 = tpu.memref_squeeze %dma_start3A_594 : memref<1x64x1x768xf32, #tpu.memory_space<vmem>> -> memref<64x1x768xf32, #tpu.memory_space<vmem>>
    %dma_start3A_596 = arith.constant 0 : i32
    %dma_start3A_597 = tpu.memref_slice %arg5[%dma_start3A_589, %dma_start3A_596] : memref<16x64xi32, #tpu.memory_space<vmem>> -> memref<1x64xi32, #tpu.memory_space<vmem>>
    %dma_start3A_598 = tpu.memref_squeeze %dma_start3A_597 : memref<1x64xi32, #tpu.memory_space<vmem>> -> memref<64xi32, #tpu.memory_space<vmem>>
    %dma_start3A_599 = arith.constant 0 : i32
    %dma_start3A_600 = arith.constant 0 : i32
    %dma_start3A_601 = arith.constant 0 : i32
    %dma_start3A_602 = tpu.memref_slice %arg3[%dma_start3A_599, %dma_start3A_600, %dma_start3A_601] : memref<8192x1x768xf32, #tpu.memory_space<hbm>> -> memref<8192x1x768xf32, #tpu.memory_space<hbm>>
    tpu.enqueue_indirect_dma source(%dma_start3A_602 : memref<8192x1x768xf32, #tpu.memory_space<hbm>>) target(%dma_start3A_595 : memref<64x1x768xf32, #tpu.memory_space<vmem>>) offsets(%dma_start3A_598 : memref<64xi32, #tpu.memory_space<vmem>>) semaphore(%arg8 : memref<!tpu.dma_semaphore, #tpu.memory_space<semaphore_mem>>)
    %dma_wait3A_603 = arith.constant 8 : i32
    %dma_wait3A_604 = arith.constant 0 : i32
    %dma_wait3A_605 = arith.constant 0 : i32
    %dma_wait3A_606 = arith.constant 0 : i32
    %dma_wait3A_607 = arith.constant 0 : i32
    %dma_wait3A_608 = tpu.memref_slice %arg6[%dma_wait3A_604, %dma_wait3A_605, %dma_wait3A_606, %dma_wait3A_607] : memref<2x64x1x768xf32, #tpu.memory_space<vmem>> -> memref<1x64x1x768xf32, #tpu.memory_space<vmem>>
    %dma_wait3A_609 = tpu.memref_squeeze %dma_wait3A_608 : memref<1x64x1x768xf32, #tpu.memory_space<vmem>> -> memref<64x1x768xf32, #tpu.memory_space<vmem>>
    %dma_wait3A_610 = arith.constant 0 : i32
    %dma_wait3A_611 = tpu.memref_slice %arg5[%dma_wait3A_603, %dma_wait3A_610] : memref<16x64xi32, #tpu.memory_space<vmem>> -> memref<1x64xi32, #tpu.memory_space<vmem>>
    %dma_wait3A_612 = tpu.memref_squeeze %dma_wait3A_611 : memref<1x64xi32, #tpu.memory_space<vmem>> -> memref<64xi32, #tpu.memory_space<vmem>>
    %dma_wait3A_613 = arith.constant 0 : i32
    %dma_wait3A_614 = arith.constant 0 : i32
    %dma_wait3A_615 = arith.constant 0 : i32
    %dma_wait3A_616 = tpu.memref_slice %arg3[%dma_wait3A_613, %dma_wait3A_614, %dma_wait3A_615] : memref<8192x1x768xf32, #tpu.memory_space<hbm>> -> memref<8192x1x768xf32, #tpu.memory_space<hbm>>
    tpu.wait_indirect_dma semaphore(%arg7 : memref<!tpu.dma_semaphore, #tpu.memory_space<semaphore_mem>>) src(%dma_wait3A_616 : memref<8192x1x768xf32, #tpu.memory_space<hbm>>) dst(%dma_wait3A_609 : memref<64x1x768xf32, #tpu.memory_space<vmem>>)
    %add3A_617 = arith.constant 512 : i32
    %add3A_618 = arith.addi %mul3A_32, %add3A_617 : i32
    %dma_start3A_619 = arith.constant 0 : i32
    %dma_start3A_620 = arith.constant 0 : i32
    %dma_start3A_621 = arith.constant 0 : i32
    %dma_start3A_622 = arith.constant 0 : i32
    %dma_start3A_623 = tpu.memref_slice %arg6[%dma_start3A_619, %dma_start3A_620, %dma_start3A_621, %dma_start3A_622] : memref<2x64x1x768xf32, #tpu.memory_space<vmem>> -> memref<1x64x1x768xf32, #tpu.memory_space<vmem>>
    %dma_start3A_624 = tpu.memref_squeeze %dma_start3A_623 : memref<1x64x1x768xf32, #tpu.memory_space<vmem>> -> memref<64x1x768xf32, #tpu.memory_space<vmem>>
    %dma_start3A_625 = arith.constant 0 : i32
    %dma_start3A_626 = arith.constant 0 : i32
    %dma_start3A_627 = tpu.memref_slice %arg4[%select_n3A, %add3A_618, %dma_start3A_625, %dma_start3A_626] : memref<4x8192x1x768xf32, #tpu.memory_space<hbm>> -> memref<1x64x1x768xf32, #tpu.memory_space<hbm>>
    %dma_start3A_628 = tpu.memref_squeeze %dma_start3A_627 : memref<1x64x1x768xf32, #tpu.memory_space<hbm>> -> memref<64x1x768xf32, #tpu.memory_space<hbm>>
    %dma_start3A_629 = arith.constant 0 : i32
    %dma_start3A_630 = arith.constant 0 : i32
    %dma_start3A_631 = tpu.memref_slice %arg4[%select_n3A, %add3A_618, %dma_start3A_629, %dma_start3A_630] : memref<4x8192x1x768xf32, #tpu.memory_space<hbm>> -> memref<1x64x1x768xf32, #tpu.memory_space<hbm>>
    %dma_start3A_632 = tpu.memref_squeeze %dma_start3A_631 : memref<1x64x1x768xf32, #tpu.memory_space<hbm>> -> memref<64x1x768xf32, #tpu.memory_space<hbm>>
    %dma_start3A_633 = arith.constant 0 : i32
    %dma_start3A_634 = arith.constant 0 : i32
    %dma_start3A_635 = arith.constant 0 : i32
    %dma_start3A_636 = tpu.memref_slice %arg6[%dma_start3A_619, %dma_start3A_633, %dma_start3A_634, %dma_start3A_635] : memref<2x64x1x768xf32, #tpu.memory_space<vmem>> -> memref<1x64x1x768xf32, #tpu.memory_space<vmem>>
    %dma_start3A_637 = tpu.memref_squeeze %dma_start3A_636 : memref<1x64x1x768xf32, #tpu.memory_space<vmem>> -> memref<64x1x768xf32, #tpu.memory_space<vmem>>
    tpu.enqueue_dma source(%dma_start3A_637 : memref<64x1x768xf32, #tpu.memory_space<vmem>>) target(%dma_start3A_632 : memref<64x1x768xf32, #tpu.memory_space<hbm>>) target_semaphore(%arg9 : memref<!tpu.dma_semaphore, #tpu.memory_space<semaphore_mem>>)
    %dma_wait3A_638 = arith.constant 0 : i32
    %dma_wait3A_639 = arith.constant 0 : i32
    %dma_wait3A_640 = arith.constant 0 : i32
    %dma_wait3A_641 = arith.constant 0 : i32
    %dma_wait3A_642 = tpu.memref_slice %arg6[%dma_wait3A_638, %dma_wait3A_639, %dma_wait3A_640, %dma_wait3A_641] : memref<2x64x1x768xf32, #tpu.memory_space<vmem>> -> memref<1x64x1x768xf32, #tpu.memory_space<vmem>>
    %dma_wait3A_643 = tpu.memref_squeeze %dma_wait3A_642 : memref<1x64x1x768xf32, #tpu.memory_space<vmem>> -> memref<64x1x768xf32, #tpu.memory_space<vmem>>
    %dma_wait3A_644 = arith.constant 0 : i32
    %dma_wait3A_645 = arith.constant 0 : i32
    %dma_wait3A_646 = tpu.memref_slice %arg4[%select_n3A, %add3A_618, %dma_wait3A_644, %dma_wait3A_645] : memref<4x8192x1x768xf32, #tpu.memory_space<hbm>> -> memref<1x64x1x768xf32, #tpu.memory_space<hbm>>
    %dma_wait3A_647 = tpu.memref_squeeze %dma_wait3A_646 : memref<1x64x1x768xf32, #tpu.memory_space<hbm>> -> memref<64x1x768xf32, #tpu.memory_space<hbm>>
    %dma_wait3A_648 = arith.constant 0 : i32
    %dma_wait3A_649 = arith.constant 0 : i32
    %dma_wait3A_650 = tpu.memref_slice %arg4[%select_n3A, %add3A_618, %dma_wait3A_648, %dma_wait3A_649] : memref<4x8192x1x768xf32, #tpu.memory_space<hbm>> -> memref<1x64x1x768xf32, #tpu.memory_space<hbm>>
    %dma_wait3A_651 = tpu.memref_squeeze %dma_wait3A_650 : memref<1x64x1x768xf32, #tpu.memory_space<hbm>> -> memref<64x1x768xf32, #tpu.memory_space<hbm>>
    %dma_wait3A_652 = arith.constant 0 : i32
    %dma_wait3A_653 = arith.constant 0 : i32
    %dma_wait3A_654 = arith.constant 0 : i32
    %dma_wait3A_655 = tpu.memref_slice %arg6[%dma_wait3A_638, %dma_wait3A_652, %dma_wait3A_653, %dma_wait3A_654] : memref<2x64x1x768xf32, #tpu.memory_space<vmem>> -> memref<1x64x1x768xf32, #tpu.memory_space<vmem>>
    %dma_wait3A_656 = tpu.memref_squeeze %dma_wait3A_655 : memref<1x64x1x768xf32, #tpu.memory_space<vmem>> -> memref<64x1x768xf32, #tpu.memory_space<vmem>>
    tpu.wait_dma2 semaphore(%arg9 : memref<!tpu.dma_semaphore, #tpu.memory_space<semaphore_mem>>) src(%dma_wait3A_656 : memref<64x1x768xf32, #tpu.memory_space<vmem>>) dst(%dma_wait3A_651 : memref<64x1x768xf32, #tpu.memory_space<hbm>>)
    %dma_start3A_657 = arith.constant 10 : i32
    %dma_start3A_658 = arith.constant 0 : i32
    %dma_start3A_659 = arith.constant 0 : i32
    %dma_start3A_660 = arith.constant 0 : i32
    %dma_start3A_661 = arith.constant 0 : i32
    %dma_start3A_662 = tpu.memref_slice %arg6[%dma_start3A_658, %dma_start3A_659, %dma_start3A_660, %dma_start3A_661] : memref<2x64x1x768xf32, #tpu.memory_space<vmem>> -> memref<1x64x1x768xf32, #tpu.memory_space<vmem>>
    %dma_start3A_663 = tpu.memref_squeeze %dma_start3A_662 : memref<1x64x1x768xf32, #tpu.memory_space<vmem>> -> memref<64x1x768xf32, #tpu.memory_space<vmem>>
    %dma_start3A_664 = arith.constant 0 : i32
    %dma_start3A_665 = tpu.memref_slice %arg5[%dma_start3A_657, %dma_start3A_664] : memref<16x64xi32, #tpu.memory_space<vmem>> -> memref<1x64xi32, #tpu.memory_space<vmem>>
    %dma_start3A_666 = tpu.memref_squeeze %dma_start3A_665 : memref<1x64xi32, #tpu.memory_space<vmem>> -> memref<64xi32, #tpu.memory_space<vmem>>
    %dma_start3A_667 = arith.constant 0 : i32
    %dma_start3A_668 = arith.constant 0 : i32
    %dma_start3A_669 = arith.constant 0 : i32
    %dma_start3A_670 = tpu.memref_slice %arg3[%dma_start3A_667, %dma_start3A_668, %dma_start3A_669] : memref<8192x1x768xf32, #tpu.memory_space<hbm>> -> memref<8192x1x768xf32, #tpu.memory_space<hbm>>
    tpu.enqueue_indirect_dma source(%dma_start3A_670 : memref<8192x1x768xf32, #tpu.memory_space<hbm>>) target(%dma_start3A_663 : memref<64x1x768xf32, #tpu.memory_space<vmem>>) offsets(%dma_start3A_666 : memref<64xi32, #tpu.memory_space<vmem>>) semaphore(%arg7 : memref<!tpu.dma_semaphore, #tpu.memory_space<semaphore_mem>>)
    %dma_wait3A_671 = arith.constant 9 : i32
    %dma_wait3A_672 = arith.constant 1 : i32
    %dma_wait3A_673 = arith.constant 0 : i32
    %dma_wait3A_674 = arith.constant 0 : i32
    %dma_wait3A_675 = arith.constant 0 : i32
    %dma_wait3A_676 = tpu.memref_slice %arg6[%dma_wait3A_672, %dma_wait3A_673, %dma_wait3A_674, %dma_wait3A_675] : memref<2x64x1x768xf32, #tpu.memory_space<vmem>> -> memref<1x64x1x768xf32, #tpu.memory_space<vmem>>
    %dma_wait3A_677 = tpu.memref_squeeze %dma_wait3A_676 : memref<1x64x1x768xf32, #tpu.memory_space<vmem>> -> memref<64x1x768xf32, #tpu.memory_space<vmem>>
    %dma_wait3A_678 = arith.constant 0 : i32
    %dma_wait3A_679 = tpu.memref_slice %arg5[%dma_wait3A_671, %dma_wait3A_678] : memref<16x64xi32, #tpu.memory_space<vmem>> -> memref<1x64xi32, #tpu.memory_space<vmem>>
    %dma_wait3A_680 = tpu.memref_squeeze %dma_wait3A_679 : memref<1x64xi32, #tpu.memory_space<vmem>> -> memref<64xi32, #tpu.memory_space<vmem>>
    %dma_wait3A_681 = arith.constant 0 : i32
    %dma_wait3A_682 = arith.constant 0 : i32
    %dma_wait3A_683 = arith.constant 0 : i32
    %dma_wait3A_684 = tpu.memref_slice %arg3[%dma_wait3A_681, %dma_wait3A_682, %dma_wait3A_683] : memref<8192x1x768xf32, #tpu.memory_space<hbm>> -> memref<8192x1x768xf32, #tpu.memory_space<hbm>>
    tpu.wait_indirect_dma semaphore(%arg8 : memref<!tpu.dma_semaphore, #tpu.memory_space<semaphore_mem>>) src(%dma_wait3A_684 : memref<8192x1x768xf32, #tpu.memory_space<hbm>>) dst(%dma_wait3A_677 : memref<64x1x768xf32, #tpu.memory_space<vmem>>)
    %add3A_685 = arith.constant 576 : i32
    %add3A_686 = arith.addi %mul3A_32, %add3A_685 : i32
    %dma_start3A_687 = arith.constant 1 : i32
    %dma_start3A_688 = arith.constant 0 : i32
    %dma_start3A_689 = arith.constant 0 : i32
    %dma_start3A_690 = arith.constant 0 : i32
    %dma_start3A_691 = tpu.memref_slice %arg6[%dma_start3A_687, %dma_start3A_688, %dma_start3A_689, %dma_start3A_690] : memref<2x64x1x768xf32, #tpu.memory_space<vmem>> -> memref<1x64x1x768xf32, #tpu.memory_space<vmem>>
    %dma_start3A_692 = tpu.memref_squeeze %dma_start3A_691 : memref<1x64x1x768xf32, #tpu.memory_space<vmem>> -> memref<64x1x768xf32, #tpu.memory_space<vmem>>
    %dma_start3A_693 = arith.constant 0 : i32
    %dma_start3A_694 = arith.constant 0 : i32
    %dma_start3A_695 = tpu.memref_slice %arg4[%select_n3A, %add3A_686, %dma_start3A_693, %dma_start3A_694] : memref<4x8192x1x768xf32, #tpu.memory_space<hbm>> -> memref<1x64x1x768xf32, #tpu.memory_space<hbm>>
    %dma_start3A_696 = tpu.memref_squeeze %dma_start3A_695 : memref<1x64x1x768xf32, #tpu.memory_space<hbm>> -> memref<64x1x768xf32, #tpu.memory_space<hbm>>
    %dma_start3A_697 = arith.constant 0 : i32
    %dma_start3A_698 = arith.constant 0 : i32
    %dma_start3A_699 = tpu.memref_slice %arg4[%select_n3A, %add3A_686, %dma_start3A_697, %dma_start3A_698] : memref<4x8192x1x768xf32, #tpu.memory_space<hbm>> -> memref<1x64x1x768xf32, #tpu.memory_space<hbm>>
    %dma_start3A_700 = tpu.memref_squeeze %dma_start3A_699 : memref<1x64x1x768xf32, #tpu.memory_space<hbm>> -> memref<64x1x768xf32, #tpu.memory_space<hbm>>
    %dma_start3A_701 = arith.constant 0 : i32
    %dma_start3A_702 = arith.constant 0 : i32
    %dma_start3A_703 = arith.constant 0 : i32
    %dma_start3A_704 = tpu.memref_slice %arg6[%dma_start3A_687, %dma_start3A_701, %dma_start3A_702, %dma_start3A_703] : memref<2x64x1x768xf32, #tpu.memory_space<vmem>> -> memref<1x64x1x768xf32, #tpu.memory_space<vmem>>
    %dma_start3A_705 = tpu.memref_squeeze %dma_start3A_704 : memref<1x64x1x768xf32, #tpu.memory_space<vmem>> -> memref<64x1x768xf32, #tpu.memory_space<vmem>>
    tpu.enqueue_dma source(%dma_start3A_705 : memref<64x1x768xf32, #tpu.memory_space<vmem>>) target(%dma_start3A_700 : memref<64x1x768xf32, #tpu.memory_space<hbm>>) target_semaphore(%arg10 : memref<!tpu.dma_semaphore, #tpu.memory_space<semaphore_mem>>)
    %dma_wait3A_706 = arith.constant 1 : i32
    %dma_wait3A_707 = arith.constant 0 : i32
    %dma_wait3A_708 = arith.constant 0 : i32
    %dma_wait3A_709 = arith.constant 0 : i32
    %dma_wait3A_710 = tpu.memref_slice %arg6[%dma_wait3A_706, %dma_wait3A_707, %dma_wait3A_708, %dma_wait3A_709] : memref<2x64x1x768xf32, #tpu.memory_space<vmem>> -> memref<1x64x1x768xf32, #tpu.memory_space<vmem>>
    %dma_wait3A_711 = tpu.memref_squeeze %dma_wait3A_710 : memref<1x64x1x768xf32, #tpu.memory_space<vmem>> -> memref<64x1x768xf32, #tpu.memory_space<vmem>>
    %dma_wait3A_712 = arith.constant 0 : i32
    %dma_wait3A_713 = arith.constant 0 : i32
    %dma_wait3A_714 = tpu.memref_slice %arg4[%select_n3A, %add3A_686, %dma_wait3A_712, %dma_wait3A_713] : memref<4x8192x1x768xf32, #tpu.memory_space<hbm>> -> memref<1x64x1x768xf32, #tpu.memory_space<hbm>>
    %dma_wait3A_715 = tpu.memref_squeeze %dma_wait3A_714 : memref<1x64x1x768xf32, #tpu.memory_space<hbm>> -> memref<64x1x768xf32, #tpu.memory_space<hbm>>
    %dma_wait3A_716 = arith.constant 0 : i32
    %dma_wait3A_717 = arith.constant 0 : i32
    %dma_wait3A_718 = tpu.memref_slice %arg4[%select_n3A, %add3A_686, %dma_wait3A_716, %dma_wait3A_717] : memref<4x8192x1x768xf32, #tpu.memory_space<hbm>> -> memref<1x64x1x768xf32, #tpu.memory_space<hbm>>
    %dma_wait3A_719 = tpu.memref_squeeze %dma_wait3A_718 : memref<1x64x1x768xf32, #tpu.memory_space<hbm>> -> memref<64x1x768xf32, #tpu.memory_space<hbm>>
    %dma_wait3A_720 = arith.constant 0 : i32
    %dma_wait3A_721 = arith.constant 0 : i32
    %dma_wait3A_722 = arith.constant 0 : i32
    %dma_wait3A_723 = tpu.memref_slice %arg6[%dma_wait3A_706, %dma_wait3A_720, %dma_wait3A_721, %dma_wait3A_722] : memref<2x64x1x768xf32, #tpu.memory_space<vmem>> -> memref<1x64x1x768xf32, #tpu.memory_space<vmem>>
    %dma_wait3A_724 = tpu.memref_squeeze %dma_wait3A_723 : memref<1x64x1x768xf32, #tpu.memory_space<vmem>> -> memref<64x1x768xf32, #tpu.memory_space<vmem>>
    tpu.wait_dma2 semaphore(%arg10 : memref<!tpu.dma_semaphore, #tpu.memory_space<semaphore_mem>>) src(%dma_wait3A_724 : memref<64x1x768xf32, #tpu.memory_space<vmem>>) dst(%dma_wait3A_719 : memref<64x1x768xf32, #tpu.memory_space<hbm>>)
    %dma_start3A_725 = arith.constant 11 : i32
    %dma_start3A_726 = arith.constant 1 : i32
    %dma_start3A_727 = arith.constant 0 : i32
    %dma_start3A_728 = arith.constant 0 : i32
    %dma_start3A_729 = arith.constant 0 : i32
    %dma_start3A_730 = tpu.memref_slice %arg6[%dma_start3A_726, %dma_start3A_727, %dma_start3A_728, %dma_start3A_729] : memref<2x64x1x768xf32, #tpu.memory_space<vmem>> -> memref<1x64x1x768xf32, #tpu.memory_space<vmem>>
    %dma_start3A_731 = tpu.memref_squeeze %dma_start3A_730 : memref<1x64x1x768xf32, #tpu.memory_space<vmem>> -> memref<64x1x768xf32, #tpu.memory_space<vmem>>
    %dma_start3A_732 = arith.constant 0 : i32
    %dma_start3A_733 = tpu.memref_slice %arg5[%dma_start3A_725, %dma_start3A_732] : memref<16x64xi32, #tpu.memory_space<vmem>> -> memref<1x64xi32, #tpu.memory_space<vmem>>
    %dma_start3A_734 = tpu.memref_squeeze %dma_start3A_733 : memref<1x64xi32, #tpu.memory_space<vmem>> -> memref<64xi32, #tpu.memory_space<vmem>>
    %dma_start3A_735 = arith.constant 0 : i32
    %dma_start3A_736 = arith.constant 0 : i32
    %dma_start3A_737 = arith.constant 0 : i32
    %dma_start3A_738 = tpu.memref_slice %arg3[%dma_start3A_735, %dma_start3A_736, %dma_start3A_737] : memref<8192x1x768xf32, #tpu.memory_space<hbm>> -> memref<8192x1x768xf32, #tpu.memory_space<hbm>>
    tpu.enqueue_indirect_dma source(%dma_start3A_738 : memref<8192x1x768xf32, #tpu.memory_space<hbm>>) target(%dma_start3A_731 : memref<64x1x768xf32, #tpu.memory_space<vmem>>) offsets(%dma_start3A_734 : memref<64xi32, #tpu.memory_space<vmem>>) semaphore(%arg8 : memref<!tpu.dma_semaphore, #tpu.memory_space<semaphore_mem>>)
    %dma_wait3A_739 = arith.constant 10 : i32
    %dma_wait3A_740 = arith.constant 0 : i32
    %dma_wait3A_741 = arith.constant 0 : i32
    %dma_wait3A_742 = arith.constant 0 : i32
    %dma_wait3A_743 = arith.constant 0 : i32
    %dma_wait3A_744 = tpu.memref_slice %arg6[%dma_wait3A_740, %dma_wait3A_741, %dma_wait3A_742, %dma_wait3A_743] : memref<2x64x1x768xf32, #tpu.memory_space<vmem>> -> memref<1x64x1x768xf32, #tpu.memory_space<vmem>>
    %dma_wait3A_745 = tpu.memref_squeeze %dma_wait3A_744 : memref<1x64x1x768xf32, #tpu.memory_space<vmem>> -> memref<64x1x768xf32, #tpu.memory_space<vmem>>
    %dma_wait3A_746 = arith.constant 0 : i32
    %dma_wait3A_747 = tpu.memref_slice %arg5[%dma_wait3A_739, %dma_wait3A_746] : memref<16x64xi32, #tpu.memory_space<vmem>> -> memref<1x64xi32, #tpu.memory_space<vmem>>
    %dma_wait3A_748 = tpu.memref_squeeze %dma_wait3A_747 : memref<1x64xi32, #tpu.memory_space<vmem>> -> memref<64xi32, #tpu.memory_space<vmem>>
    %dma_wait3A_749 = arith.constant 0 : i32
    %dma_wait3A_750 = arith.constant 0 : i32
    %dma_wait3A_751 = arith.constant 0 : i32
    %dma_wait3A_752 = tpu.memref_slice %arg3[%dma_wait3A_749, %dma_wait3A_750, %dma_wait3A_751] : memref<8192x1x768xf32, #tpu.memory_space<hbm>> -> memref<8192x1x768xf32, #tpu.memory_space<hbm>>
    tpu.wait_indirect_dma semaphore(%arg7 : memref<!tpu.dma_semaphore, #tpu.memory_space<semaphore_mem>>) src(%dma_wait3A_752 : memref<8192x1x768xf32, #tpu.memory_space<hbm>>) dst(%dma_wait3A_745 : memref<64x1x768xf32, #tpu.memory_space<vmem>>)
    %add3A_753 = arith.constant 640 : i32
    %add3A_754 = arith.addi %mul3A_32, %add3A_753 : i32
    %dma_start3A_755 = arith.constant 0 : i32
    %dma_start3A_756 = arith.constant 0 : i32
    %dma_start3A_757 = arith.constant 0 : i32
    %dma_start3A_758 = arith.constant 0 : i32
    %dma_start3A_759 = tpu.memref_slice %arg6[%dma_start3A_755, %dma_start3A_756, %dma_start3A_757, %dma_start3A_758] : memref<2x64x1x768xf32, #tpu.memory_space<vmem>> -> memref<1x64x1x768xf32, #tpu.memory_space<vmem>>
    %dma_start3A_760 = tpu.memref_squeeze %dma_start3A_759 : memref<1x64x1x768xf32, #tpu.memory_space<vmem>> -> memref<64x1x768xf32, #tpu.memory_space<vmem>>
    %dma_start3A_761 = arith.constant 0 : i32
    %dma_start3A_762 = arith.constant 0 : i32
    %dma_start3A_763 = tpu.memref_slice %arg4[%select_n3A, %add3A_754, %dma_start3A_761, %dma_start3A_762] : memref<4x8192x1x768xf32, #tpu.memory_space<hbm>> -> memref<1x64x1x768xf32, #tpu.memory_space<hbm>>
    %dma_start3A_764 = tpu.memref_squeeze %dma_start3A_763 : memref<1x64x1x768xf32, #tpu.memory_space<hbm>> -> memref<64x1x768xf32, #tpu.memory_space<hbm>>
    %dma_start3A_765 = arith.constant 0 : i32
    %dma_start3A_766 = arith.constant 0 : i32
    %dma_start3A_767 = tpu.memref_slice %arg4[%select_n3A, %add3A_754, %dma_start3A_765, %dma_start3A_766] : memref<4x8192x1x768xf32, #tpu.memory_space<hbm>> -> memref<1x64x1x768xf32, #tpu.memory_space<hbm>>
    %dma_start3A_768 = tpu.memref_squeeze %dma_start3A_767 : memref<1x64x1x768xf32, #tpu.memory_space<hbm>> -> memref<64x1x768xf32, #tpu.memory_space<hbm>>
    %dma_start3A_769 = arith.constant 0 : i32
    %dma_start3A_770 = arith.constant 0 : i32
    %dma_start3A_771 = arith.constant 0 : i32
    %dma_start3A_772 = tpu.memref_slice %arg6[%dma_start3A_755, %dma_start3A_769, %dma_start3A_770, %dma_start3A_771] : memref<2x64x1x768xf32, #tpu.memory_space<vmem>> -> memref<1x64x1x768xf32, #tpu.memory_space<vmem>>
    %dma_start3A_773 = tpu.memref_squeeze %dma_start3A_772 : memref<1x64x1x768xf32, #tpu.memory_space<vmem>> -> memref<64x1x768xf32, #tpu.memory_space<vmem>>
    tpu.enqueue_dma source(%dma_start3A_773 : memref<64x1x768xf32, #tpu.memory_space<vmem>>) target(%dma_start3A_768 : memref<64x1x768xf32, #tpu.memory_space<hbm>>) target_semaphore(%arg9 : memref<!tpu.dma_semaphore, #tpu.memory_space<semaphore_mem>>)
    %dma_wait3A_774 = arith.constant 0 : i32
    %dma_wait3A_775 = arith.constant 0 : i32
    %dma_wait3A_776 = arith.constant 0 : i32
    %dma_wait3A_777 = arith.constant 0 : i32
    %dma_wait3A_778 = tpu.memref_slice %arg6[%dma_wait3A_774, %dma_wait3A_775, %dma_wait3A_776, %dma_wait3A_777] : memref<2x64x1x768xf32, #tpu.memory_space<vmem>> -> memref<1x64x1x768xf32, #tpu.memory_space<vmem>>
    %dma_wait3A_779 = tpu.memref_squeeze %dma_wait3A_778 : memref<1x64x1x768xf32, #tpu.memory_space<vmem>> -> memref<64x1x768xf32, #tpu.memory_space<vmem>>
    %dma_wait3A_780 = arith.constant 0 : i32
    %dma_wait3A_781 = arith.constant 0 : i32
    %dma_wait3A_782 = tpu.memref_slice %arg4[%select_n3A, %add3A_754, %dma_wait3A_780, %dma_wait3A_781] : memref<4x8192x1x768xf32, #tpu.memory_space<hbm>> -> memref<1x64x1x768xf32, #tpu.memory_space<hbm>>
    %dma_wait3A_783 = tpu.memref_squeeze %dma_wait3A_782 : memref<1x64x1x768xf32, #tpu.memory_space<hbm>> -> memref<64x1x768xf32, #tpu.memory_space<hbm>>
    %dma_wait3A_784 = arith.constant 0 : i32
    %dma_wait3A_785 = arith.constant 0 : i32
    %dma_wait3A_786 = tpu.memref_slice %arg4[%select_n3A, %add3A_754, %dma_wait3A_784, %dma_wait3A_785] : memref<4x8192x1x768xf32, #tpu.memory_space<hbm>> -> memref<1x64x1x768xf32, #tpu.memory_space<hbm>>
    %dma_wait3A_787 = tpu.memref_squeeze %dma_wait3A_786 : memref<1x64x1x768xf32, #tpu.memory_space<hbm>> -> memref<64x1x768xf32, #tpu.memory_space<hbm>>
    %dma_wait3A_788 = arith.constant 0 : i32
    %dma_wait3A_789 = arith.constant 0 : i32
    %dma_wait3A_790 = arith.constant 0 : i32
    %dma_wait3A_791 = tpu.memref_slice %arg6[%dma_wait3A_774, %dma_wait3A_788, %dma_wait3A_789, %dma_wait3A_790] : memref<2x64x1x768xf32, #tpu.memory_space<vmem>> -> memref<1x64x1x768xf32, #tpu.memory_space<vmem>>
    %dma_wait3A_792 = tpu.memref_squeeze %dma_wait3A_791 : memref<1x64x1x768xf32, #tpu.memory_space<vmem>> -> memref<64x1x768xf32, #tpu.memory_space<vmem>>
    tpu.wait_dma2 semaphore(%arg9 : memref<!tpu.dma_semaphore, #tpu.memory_space<semaphore_mem>>) src(%dma_wait3A_792 : memref<64x1x768xf32, #tpu.memory_space<vmem>>) dst(%dma_wait3A_787 : memref<64x1x768xf32, #tpu.memory_space<hbm>>)
    %dma_start3A_793 = arith.constant 12 : i32
    %dma_start3A_794 = arith.constant 0 : i32
    %dma_start3A_795 = arith.constant 0 : i32
    %dma_start3A_796 = arith.constant 0 : i32
    %dma_start3A_797 = arith.constant 0 : i32
    %dma_start3A_798 = tpu.memref_slice %arg6[%dma_start3A_794, %dma_start3A_795, %dma_start3A_796, %dma_start3A_797] : memref<2x64x1x768xf32, #tpu.memory_space<vmem>> -> memref<1x64x1x768xf32, #tpu.memory_space<vmem>>
    %dma_start3A_799 = tpu.memref_squeeze %dma_start3A_798 : memref<1x64x1x768xf32, #tpu.memory_space<vmem>> -> memref<64x1x768xf32, #tpu.memory_space<vmem>>
    %dma_start3A_800 = arith.constant 0 : i32
    %dma_start3A_801 = tpu.memref_slice %arg5[%dma_start3A_793, %dma_start3A_800] : memref<16x64xi32, #tpu.memory_space<vmem>> -> memref<1x64xi32, #tpu.memory_space<vmem>>
    %dma_start3A_802 = tpu.memref_squeeze %dma_start3A_801 : memref<1x64xi32, #tpu.memory_space<vmem>> -> memref<64xi32, #tpu.memory_space<vmem>>
    %dma_start3A_803 = arith.constant 0 : i32
    %dma_start3A_804 = arith.constant 0 : i32
    %dma_start3A_805 = arith.constant 0 : i32
    %dma_start3A_806 = tpu.memref_slice %arg3[%dma_start3A_803, %dma_start3A_804, %dma_start3A_805] : memref<8192x1x768xf32, #tpu.memory_space<hbm>> -> memref<8192x1x768xf32, #tpu.memory_space<hbm>>
    tpu.enqueue_indirect_dma source(%dma_start3A_806 : memref<8192x1x768xf32, #tpu.memory_space<hbm>>) target(%dma_start3A_799 : memref<64x1x768xf32, #tpu.memory_space<vmem>>) offsets(%dma_start3A_802 : memref<64xi32, #tpu.memory_space<vmem>>) semaphore(%arg7 : memref<!tpu.dma_semaphore, #tpu.memory_space<semaphore_mem>>)
    %dma_wait3A_807 = arith.constant 11 : i32
    %dma_wait3A_808 = arith.constant 1 : i32
    %dma_wait3A_809 = arith.constant 0 : i32
    %dma_wait3A_810 = arith.constant 0 : i32
    %dma_wait3A_811 = arith.constant 0 : i32
    %dma_wait3A_812 = tpu.memref_slice %arg6[%dma_wait3A_808, %dma_wait3A_809, %dma_wait3A_810, %dma_wait3A_811] : memref<2x64x1x768xf32, #tpu.memory_space<vmem>> -> memref<1x64x1x768xf32, #tpu.memory_space<vmem>>
    %dma_wait3A_813 = tpu.memref_squeeze %dma_wait3A_812 : memref<1x64x1x768xf32, #tpu.memory_space<vmem>> -> memref<64x1x768xf32, #tpu.memory_space<vmem>>
    %dma_wait3A_814 = arith.constant 0 : i32
    %dma_wait3A_815 = tpu.memref_slice %arg5[%dma_wait3A_807, %dma_wait3A_814] : memref<16x64xi32, #tpu.memory_space<vmem>> -> memref<1x64xi32, #tpu.memory_space<vmem>>
    %dma_wait3A_816 = tpu.memref_squeeze %dma_wait3A_815 : memref<1x64xi32, #tpu.memory_space<vmem>> -> memref<64xi32, #tpu.memory_space<vmem>>
    %dma_wait3A_817 = arith.constant 0 : i32
    %dma_wait3A_818 = arith.constant 0 : i32
    %dma_wait3A_819 = arith.constant 0 : i32
    %dma_wait3A_820 = tpu.memref_slice %arg3[%dma_wait3A_817, %dma_wait3A_818, %dma_wait3A_819] : memref<8192x1x768xf32, #tpu.memory_space<hbm>> -> memref<8192x1x768xf32, #tpu.memory_space<hbm>>
    tpu.wait_indirect_dma semaphore(%arg8 : memref<!tpu.dma_semaphore, #tpu.memory_space<semaphore_mem>>) src(%dma_wait3A_820 : memref<8192x1x768xf32, #tpu.memory_space<hbm>>) dst(%dma_wait3A_813 : memref<64x1x768xf32, #tpu.memory_space<vmem>>)
    %add3A_821 = arith.constant 704 : i32
    %add3A_822 = arith.addi %mul3A_32, %add3A_821 : i32
    %dma_start3A_823 = arith.constant 1 : i32
    %dma_start3A_824 = arith.constant 0 : i32
    %dma_start3A_825 = arith.constant 0 : i32
    %dma_start3A_826 = arith.constant 0 : i32
    %dma_start3A_827 = tpu.memref_slice %arg6[%dma_start3A_823, %dma_start3A_824, %dma_start3A_825, %dma_start3A_826] : memref<2x64x1x768xf32, #tpu.memory_space<vmem>> -> memref<1x64x1x768xf32, #tpu.memory_space<vmem>>
    %dma_start3A_828 = tpu.memref_squeeze %dma_start3A_827 : memref<1x64x1x768xf32, #tpu.memory_space<vmem>> -> memref<64x1x768xf32, #tpu.memory_space<vmem>>
    %dma_start3A_829 = arith.constant 0 : i32
    %dma_start3A_830 = arith.constant 0 : i32
    %dma_start3A_831 = tpu.memref_slice %arg4[%select_n3A, %add3A_822, %dma_start3A_829, %dma_start3A_830] : memref<4x8192x1x768xf32, #tpu.memory_space<hbm>> -> memref<1x64x1x768xf32, #tpu.memory_space<hbm>>
    %dma_start3A_832 = tpu.memref_squeeze %dma_start3A_831 : memref<1x64x1x768xf32, #tpu.memory_space<hbm>> -> memref<64x1x768xf32, #tpu.memory_space<hbm>>
    %dma_start3A_833 = arith.constant 0 : i32
    %dma_start3A_834 = arith.constant 0 : i32
    %dma_start3A_835 = tpu.memref_slice %arg4[%select_n3A, %add3A_822, %dma_start3A_833, %dma_start3A_834] : memref<4x8192x1x768xf32, #tpu.memory_space<hbm>> -> memref<1x64x1x768xf32, #tpu.memory_space<hbm>>
    %dma_start3A_836 = tpu.memref_squeeze %dma_start3A_835 : memref<1x64x1x768xf32, #tpu.memory_space<hbm>> -> memref<64x1x768xf32, #tpu.memory_space<hbm>>
    %dma_start3A_837 = arith.constant 0 : i32
    %dma_start3A_838 = arith.constant 0 : i32
    %dma_start3A_839 = arith.constant 0 : i32
    %dma_start3A_840 = tpu.memref_slice %arg6[%dma_start3A_823, %dma_start3A_837, %dma_start3A_838, %dma_start3A_839] : memref<2x64x1x768xf32, #tpu.memory_space<vmem>> -> memref<1x64x1x768xf32, #tpu.memory_space<vmem>>
    %dma_start3A_841 = tpu.memref_squeeze %dma_start3A_840 : memref<1x64x1x768xf32, #tpu.memory_space<vmem>> -> memref<64x1x768xf32, #tpu.memory_space<vmem>>
    tpu.enqueue_dma source(%dma_start3A_841 : memref<64x1x768xf32, #tpu.memory_space<vmem>>) target(%dma_start3A_836 : memref<64x1x768xf32, #tpu.memory_space<hbm>>) target_semaphore(%arg10 : memref<!tpu.dma_semaphore, #tpu.memory_space<semaphore_mem>>)
    %dma_wait3A_842 = arith.constant 1 : i32
    %dma_wait3A_843 = arith.constant 0 : i32
    %dma_wait3A_844 = arith.constant 0 : i32
    %dma_wait3A_845 = arith.constant 0 : i32
    %dma_wait3A_846 = tpu.memref_slice %arg6[%dma_wait3A_842, %dma_wait3A_843, %dma_wait3A_844, %dma_wait3A_845] : memref<2x64x1x768xf32, #tpu.memory_space<vmem>> -> memref<1x64x1x768xf32, #tpu.memory_space<vmem>>
    %dma_wait3A_847 = tpu.memref_squeeze %dma_wait3A_846 : memref<1x64x1x768xf32, #tpu.memory_space<vmem>> -> memref<64x1x768xf32, #tpu.memory_space<vmem>>
    %dma_wait3A_848 = arith.constant 0 : i32
    %dma_wait3A_849 = arith.constant 0 : i32
    %dma_wait3A_850 = tpu.memref_slice %arg4[%select_n3A, %add3A_822, %dma_wait3A_848, %dma_wait3A_849] : memref<4x8192x1x768xf32, #tpu.memory_space<hbm>> -> memref<1x64x1x768xf32, #tpu.memory_space<hbm>>
    %dma_wait3A_851 = tpu.memref_squeeze %dma_wait3A_850 : memref<1x64x1x768xf32, #tpu.memory_space<hbm>> -> memref<64x1x768xf32, #tpu.memory_space<hbm>>
    %dma_wait3A_852 = arith.constant 0 : i32
    %dma_wait3A_853 = arith.constant 0 : i32
    %dma_wait3A_854 = tpu.memref_slice %arg4[%select_n3A, %add3A_822, %dma_wait3A_852, %dma_wait3A_853] : memref<4x8192x1x768xf32, #tpu.memory_space<hbm>> -> memref<1x64x1x768xf32, #tpu.memory_space<hbm>>
    %dma_wait3A_855 = tpu.memref_squeeze %dma_wait3A_854 : memref<1x64x1x768xf32, #tpu.memory_space<hbm>> -> memref<64x1x768xf32, #tpu.memory_space<hbm>>
    %dma_wait3A_856 = arith.constant 0 : i32
    %dma_wait3A_857 = arith.constant 0 : i32
    %dma_wait3A_858 = arith.constant 0 : i32
    %dma_wait3A_859 = tpu.memref_slice %arg6[%dma_wait3A_842, %dma_wait3A_856, %dma_wait3A_857, %dma_wait3A_858] : memref<2x64x1x768xf32, #tpu.memory_space<vmem>> -> memref<1x64x1x768xf32, #tpu.memory_space<vmem>>
    %dma_wait3A_860 = tpu.memref_squeeze %dma_wait3A_859 : memref<1x64x1x768xf32, #tpu.memory_space<vmem>> -> memref<64x1x768xf32, #tpu.memory_space<vmem>>
    tpu.wait_dma2 semaphore(%arg10 : memref<!tpu.dma_semaphore, #tpu.memory_space<semaphore_mem>>) src(%dma_wait3A_860 : memref<64x1x768xf32, #tpu.memory_space<vmem>>) dst(%dma_wait3A_855 : memref<64x1x768xf32, #tpu.memory_space<hbm>>)
    %dma_start3A_861 = arith.constant 13 : i32
    %dma_start3A_862 = arith.constant 1 : i32
    %dma_start3A_863 = arith.constant 0 : i32
    %dma_start3A_864 = arith.constant 0 : i32
    %dma_start3A_865 = arith.constant 0 : i32
    %dma_start3A_866 = tpu.memref_slice %arg6[%dma_start3A_862, %dma_start3A_863, %dma_start3A_864, %dma_start3A_865] : memref<2x64x1x768xf32, #tpu.memory_space<vmem>> -> memref<1x64x1x768xf32, #tpu.memory_space<vmem>>
    %dma_start3A_867 = tpu.memref_squeeze %dma_start3A_866 : memref<1x64x1x768xf32, #tpu.memory_space<vmem>> -> memref<64x1x768xf32, #tpu.memory_space<vmem>>
    %dma_start3A_868 = arith.constant 0 : i32
    %dma_start3A_869 = tpu.memref_slice %arg5[%dma_start3A_861, %dma_start3A_868] : memref<16x64xi32, #tpu.memory_space<vmem>> -> memref<1x64xi32, #tpu.memory_space<vmem>>
    %dma_start3A_870 = tpu.memref_squeeze %dma_start3A_869 : memref<1x64xi32, #tpu.memory_space<vmem>> -> memref<64xi32, #tpu.memory_space<vmem>>
    %dma_start3A_871 = arith.constant 0 : i32
    %dma_start3A_872 = arith.constant 0 : i32
    %dma_start3A_873 = arith.constant 0 : i32
    %dma_start3A_874 = tpu.memref_slice %arg3[%dma_start3A_871, %dma_start3A_872, %dma_start3A_873] : memref<8192x1x768xf32, #tpu.memory_space<hbm>> -> memref<8192x1x768xf32, #tpu.memory_space<hbm>>
    tpu.enqueue_indirect_dma source(%dma_start3A_874 : memref<8192x1x768xf32, #tpu.memory_space<hbm>>) target(%dma_start3A_867 : memref<64x1x768xf32, #tpu.memory_space<vmem>>) offsets(%dma_start3A_870 : memref<64xi32, #tpu.memory_space<vmem>>) semaphore(%arg8 : memref<!tpu.dma_semaphore, #tpu.memory_space<semaphore_mem>>)
    %dma_wait3A_875 = arith.constant 12 : i32
    %dma_wait3A_876 = arith.constant 0 : i32
    %dma_wait3A_877 = arith.constant 0 : i32
    %dma_wait3A_878 = arith.constant 0 : i32
    %dma_wait3A_879 = arith.constant 0 : i32
    %dma_wait3A_880 = tpu.memref_slice %arg6[%dma_wait3A_876, %dma_wait3A_877, %dma_wait3A_878, %dma_wait3A_879] : memref<2x64x1x768xf32, #tpu.memory_space<vmem>> -> memref<1x64x1x768xf32, #tpu.memory_space<vmem>>
    %dma_wait3A_881 = tpu.memref_squeeze %dma_wait3A_880 : memref<1x64x1x768xf32, #tpu.memory_space<vmem>> -> memref<64x1x768xf32, #tpu.memory_space<vmem>>
    %dma_wait3A_882 = arith.constant 0 : i32
    %dma_wait3A_883 = tpu.memref_slice %arg5[%dma_wait3A_875, %dma_wait3A_882] : memref<16x64xi32, #tpu.memory_space<vmem>> -> memref<1x64xi32, #tpu.memory_space<vmem>>
    %dma_wait3A_884 = tpu.memref_squeeze %dma_wait3A_883 : memref<1x64xi32, #tpu.memory_space<vmem>> -> memref<64xi32, #tpu.memory_space<vmem>>
    %dma_wait3A_885 = arith.constant 0 : i32
    %dma_wait3A_886 = arith.constant 0 : i32
    %dma_wait3A_887 = arith.constant 0 : i32
    %dma_wait3A_888 = tpu.memref_slice %arg3[%dma_wait3A_885, %dma_wait3A_886, %dma_wait3A_887] : memref<8192x1x768xf32, #tpu.memory_space<hbm>> -> memref<8192x1x768xf32, #tpu.memory_space<hbm>>
    tpu.wait_indirect_dma semaphore(%arg7 : memref<!tpu.dma_semaphore, #tpu.memory_space<semaphore_mem>>) src(%dma_wait3A_888 : memref<8192x1x768xf32, #tpu.memory_space<hbm>>) dst(%dma_wait3A_881 : memref<64x1x768xf32, #tpu.memory_space<vmem>>)
    %add3A_889 = arith.constant 768 : i32
    %add3A_890 = arith.addi %mul3A_32, %add3A_889 : i32
    %dma_start3A_891 = arith.constant 0 : i32
    %dma_start3A_892 = arith.constant 0 : i32
    %dma_start3A_893 = arith.constant 0 : i32
    %dma_start3A_894 = arith.constant 0 : i32
    %dma_start3A_895 = tpu.memref_slice %arg6[%dma_start3A_891, %dma_start3A_892, %dma_start3A_893, %dma_start3A_894] : memref<2x64x1x768xf32, #tpu.memory_space<vmem>> -> memref<1x64x1x768xf32, #tpu.memory_space<vmem>>
    %dma_start3A_896 = tpu.memref_squeeze %dma_start3A_895 : memref<1x64x1x768xf32, #tpu.memory_space<vmem>> -> memref<64x1x768xf32, #tpu.memory_space<vmem>>
    %dma_start3A_897 = arith.constant 0 : i32
    %dma_start3A_898 = arith.constant 0 : i32
    %dma_start3A_899 = tpu.memref_slice %arg4[%select_n3A, %add3A_890, %dma_start3A_897, %dma_start3A_898] : memref<4x8192x1x768xf32, #tpu.memory_space<hbm>> -> memref<1x64x1x768xf32, #tpu.memory_space<hbm>>
    %dma_start3A_900 = tpu.memref_squeeze %dma_start3A_899 : memref<1x64x1x768xf32, #tpu.memory_space<hbm>> -> memref<64x1x768xf32, #tpu.memory_space<hbm>>
    %dma_start3A_901 = arith.constant 0 : i32
    %dma_start3A_902 = arith.constant 0 : i32
    %dma_start3A_903 = tpu.memref_slice %arg4[%select_n3A, %add3A_890, %dma_start3A_901, %dma_start3A_902] : memref<4x8192x1x768xf32, #tpu.memory_space<hbm>> -> memref<1x64x1x768xf32, #tpu.memory_space<hbm>>
    %dma_start3A_904 = tpu.memref_squeeze %dma_start3A_903 : memref<1x64x1x768xf32, #tpu.memory_space<hbm>> -> memref<64x1x768xf32, #tpu.memory_space<hbm>>
    %dma_start3A_905 = arith.constant 0 : i32
    %dma_start3A_906 = arith.constant 0 : i32
    %dma_start3A_907 = arith.constant 0 : i32
    %dma_start3A_908 = tpu.memref_slice %arg6[%dma_start3A_891, %dma_start3A_905, %dma_start3A_906, %dma_start3A_907] : memref<2x64x1x768xf32, #tpu.memory_space<vmem>> -> memref<1x64x1x768xf32, #tpu.memory_space<vmem>>
    %dma_start3A_909 = tpu.memref_squeeze %dma_start3A_908 : memref<1x64x1x768xf32, #tpu.memory_space<vmem>> -> memref<64x1x768xf32, #tpu.memory_space<vmem>>
    tpu.enqueue_dma source(%dma_start3A_909 : memref<64x1x768xf32, #tpu.memory_space<vmem>>) target(%dma_start3A_904 : memref<64x1x768xf32, #tpu.memory_space<hbm>>) target_semaphore(%arg9 : memref<!tpu.dma_semaphore, #tpu.memory_space<semaphore_mem>>)
    %dma_wait3A_910 = arith.constant 0 : i32
    %dma_wait3A_911 = arith.constant 0 : i32
    %dma_wait3A_912 = arith.constant 0 : i32
    %dma_wait3A_913 = arith.constant 0 : i32
    %dma_wait3A_914 = tpu.memref_slice %arg6[%dma_wait3A_910, %dma_wait3A_911, %dma_wait3A_912, %dma_wait3A_913] : memref<2x64x1x768xf32, #tpu.memory_space<vmem>> -> memref<1x64x1x768xf32, #tpu.memory_space<vmem>>
    %dma_wait3A_915 = tpu.memref_squeeze %dma_wait3A_914 : memref<1x64x1x768xf32, #tpu.memory_space<vmem>> -> memref<64x1x768xf32, #tpu.memory_space<vmem>>
    %dma_wait3A_916 = arith.constant 0 : i32
    %dma_wait3A_917 = arith.constant 0 : i32
    %dma_wait3A_918 = tpu.memref_slice %arg4[%select_n3A, %add3A_890, %dma_wait3A_916, %dma_wait3A_917] : memref<4x8192x1x768xf32, #tpu.memory_space<hbm>> -> memref<1x64x1x768xf32, #tpu.memory_space<hbm>>
    %dma_wait3A_919 = tpu.memref_squeeze %dma_wait3A_918 : memref<1x64x1x768xf32, #tpu.memory_space<hbm>> -> memref<64x1x768xf32, #tpu.memory_space<hbm>>
    %dma_wait3A_920 = arith.constant 0 : i32
    %dma_wait3A_921 = arith.constant 0 : i32
    %dma_wait3A_922 = tpu.memref_slice %arg4[%select_n3A, %add3A_890, %dma_wait3A_920, %dma_wait3A_921] : memref<4x8192x1x768xf32, #tpu.memory_space<hbm>> -> memref<1x64x1x768xf32, #tpu.memory_space<hbm>>
    %dma_wait3A_923 = tpu.memref_squeeze %dma_wait3A_922 : memref<1x64x1x768xf32, #tpu.memory_space<hbm>> -> memref<64x1x768xf32, #tpu.memory_space<hbm>>
    %dma_wait3A_924 = arith.constant 0 : i32
    %dma_wait3A_925 = arith.constant 0 : i32
    %dma_wait3A_926 = arith.constant 0 : i32
    %dma_wait3A_927 = tpu.memref_slice %arg6[%dma_wait3A_910, %dma_wait3A_924, %dma_wait3A_925, %dma_wait3A_926] : memref<2x64x1x768xf32, #tpu.memory_space<vmem>> -> memref<1x64x1x768xf32, #tpu.memory_space<vmem>>
    %dma_wait3A_928 = tpu.memref_squeeze %dma_wait3A_927 : memref<1x64x1x768xf32, #tpu.memory_space<vmem>> -> memref<64x1x768xf32, #tpu.memory_space<vmem>>
    tpu.wait_dma2 semaphore(%arg9 : memref<!tpu.dma_semaphore, #tpu.memory_space<semaphore_mem>>) src(%dma_wait3A_928 : memref<64x1x768xf32, #tpu.memory_space<vmem>>) dst(%dma_wait3A_923 : memref<64x1x768xf32, #tpu.memory_space<hbm>>)
    %dma_start3A_929 = arith.constant 14 : i32
    %dma_start3A_930 = arith.constant 0 : i32
    %dma_start3A_931 = arith.constant 0 : i32
    %dma_start3A_932 = arith.constant 0 : i32
    %dma_start3A_933 = arith.constant 0 : i32
    %dma_start3A_934 = tpu.memref_slice %arg6[%dma_start3A_930, %dma_start3A_931, %dma_start3A_932, %dma_start3A_933] : memref<2x64x1x768xf32, #tpu.memory_space<vmem>> -> memref<1x64x1x768xf32, #tpu.memory_space<vmem>>
    %dma_start3A_935 = tpu.memref_squeeze %dma_start3A_934 : memref<1x64x1x768xf32, #tpu.memory_space<vmem>> -> memref<64x1x768xf32, #tpu.memory_space<vmem>>
    %dma_start3A_936 = arith.constant 0 : i32
    %dma_start3A_937 = tpu.memref_slice %arg5[%dma_start3A_929, %dma_start3A_936] : memref<16x64xi32, #tpu.memory_space<vmem>> -> memref<1x64xi32, #tpu.memory_space<vmem>>
    %dma_start3A_938 = tpu.memref_squeeze %dma_start3A_937 : memref<1x64xi32, #tpu.memory_space<vmem>> -> memref<64xi32, #tpu.memory_space<vmem>>
    %dma_start3A_939 = arith.constant 0 : i32
    %dma_start3A_940 = arith.constant 0 : i32
    %dma_start3A_941 = arith.constant 0 : i32
    %dma_start3A_942 = tpu.memref_slice %arg3[%dma_start3A_939, %dma_start3A_940, %dma_start3A_941] : memref<8192x1x768xf32, #tpu.memory_space<hbm>> -> memref<8192x1x768xf32, #tpu.memory_space<hbm>>
    tpu.enqueue_indirect_dma source(%dma_start3A_942 : memref<8192x1x768xf32, #tpu.memory_space<hbm>>) target(%dma_start3A_935 : memref<64x1x768xf32, #tpu.memory_space<vmem>>) offsets(%dma_start3A_938 : memref<64xi32, #tpu.memory_space<vmem>>) semaphore(%arg7 : memref<!tpu.dma_semaphore, #tpu.memory_space<semaphore_mem>>)
    %dma_wait3A_943 = arith.constant 13 : i32
    %dma_wait3A_944 = arith.constant 1 : i32
    %dma_wait3A_945 = arith.constant 0 : i32
    %dma_wait3A_946 = arith.constant 0 : i32
    %dma_wait3A_947 = arith.constant 0 : i32
    %dma_wait3A_948 = tpu.memref_slice %arg6[%dma_wait3A_944, %dma_wait3A_945, %dma_wait3A_946, %dma_wait3A_947] : memref<2x64x1x768xf32, #tpu.memory_space<vmem>> -> memref<1x64x1x768xf32, #tpu.memory_space<vmem>>
    %dma_wait3A_949 = tpu.memref_squeeze %dma_wait3A_948 : memref<1x64x1x768xf32, #tpu.memory_space<vmem>> -> memref<64x1x768xf32, #tpu.memory_space<vmem>>
    %dma_wait3A_950 = arith.constant 0 : i32
    %dma_wait3A_951 = tpu.memref_slice %arg5[%dma_wait3A_943, %dma_wait3A_950] : memref<16x64xi32, #tpu.memory_space<vmem>> -> memref<1x64xi32, #tpu.memory_space<vmem>>
    %dma_wait3A_952 = tpu.memref_squeeze %dma_wait3A_951 : memref<1x64xi32, #tpu.memory_space<vmem>> -> memref<64xi32, #tpu.memory_space<vmem>>
    %dma_wait3A_953 = arith.constant 0 : i32
    %dma_wait3A_954 = arith.constant 0 : i32
    %dma_wait3A_955 = arith.constant 0 : i32
    %dma_wait3A_956 = tpu.memref_slice %arg3[%dma_wait3A_953, %dma_wait3A_954, %dma_wait3A_955] : memref<8192x1x768xf32, #tpu.memory_space<hbm>> -> memref<8192x1x768xf32, #tpu.memory_space<hbm>>
    tpu.wait_indirect_dma semaphore(%arg8 : memref<!tpu.dma_semaphore, #tpu.memory_space<semaphore_mem>>) src(%dma_wait3A_956 : memref<8192x1x768xf32, #tpu.memory_space<hbm>>) dst(%dma_wait3A_949 : memref<64x1x768xf32, #tpu.memory_space<vmem>>)
    %add3A_957 = arith.constant 832 : i32
    %add3A_958 = arith.addi %mul3A_32, %add3A_957 : i32
    %dma_start3A_959 = arith.constant 1 : i32
    %dma_start3A_960 = arith.constant 0 : i32
    %dma_start3A_961 = arith.constant 0 : i32
    %dma_start3A_962 = arith.constant 0 : i32
    %dma_start3A_963 = tpu.memref_slice %arg6[%dma_start3A_959, %dma_start3A_960, %dma_start3A_961, %dma_start3A_962] : memref<2x64x1x768xf32, #tpu.memory_space<vmem>> -> memref<1x64x1x768xf32, #tpu.memory_space<vmem>>
    %dma_start3A_964 = tpu.memref_squeeze %dma_start3A_963 : memref<1x64x1x768xf32, #tpu.memory_space<vmem>> -> memref<64x1x768xf32, #tpu.memory_space<vmem>>
    %dma_start3A_965 = arith.constant 0 : i32
    %dma_start3A_966 = arith.constant 0 : i32
    %dma_start3A_967 = tpu.memref_slice %arg4[%select_n3A, %add3A_958, %dma_start3A_965, %dma_start3A_966] : memref<4x8192x1x768xf32, #tpu.memory_space<hbm>> -> memref<1x64x1x768xf32, #tpu.memory_space<hbm>>
    %dma_start3A_968 = tpu.memref_squeeze %dma_start3A_967 : memref<1x64x1x768xf32, #tpu.memory_space<hbm>> -> memref<64x1x768xf32, #tpu.memory_space<hbm>>
    %dma_start3A_969 = arith.constant 0 : i32
    %dma_start3A_970 = arith.constant 0 : i32
    %dma_start3A_971 = tpu.memref_slice %arg4[%select_n3A, %add3A_958, %dma_start3A_969, %dma_start3A_970] : memref<4x8192x1x768xf32, #tpu.memory_space<hbm>> -> memref<1x64x1x768xf32, #tpu.memory_space<hbm>>
    %dma_start3A_972 = tpu.memref_squeeze %dma_start3A_971 : memref<1x64x1x768xf32, #tpu.memory_space<hbm>> -> memref<64x1x768xf32, #tpu.memory_space<hbm>>
    %dma_start3A_973 = arith.constant 0 : i32
    %dma_start3A_974 = arith.constant 0 : i32
    %dma_start3A_975 = arith.constant 0 : i32
    %dma_start3A_976 = tpu.memref_slice %arg6[%dma_start3A_959, %dma_start3A_973, %dma_start3A_974, %dma_start3A_975] : memref<2x64x1x768xf32, #tpu.memory_space<vmem>> -> memref<1x64x1x768xf32, #tpu.memory_space<vmem>>
    %dma_start3A_977 = tpu.memref_squeeze %dma_start3A_976 : memref<1x64x1x768xf32, #tpu.memory_space<vmem>> -> memref<64x1x768xf32, #tpu.memory_space<vmem>>
    tpu.enqueue_dma source(%dma_start3A_977 : memref<64x1x768xf32, #tpu.memory_space<vmem>>) target(%dma_start3A_972 : memref<64x1x768xf32, #tpu.memory_space<hbm>>) target_semaphore(%arg10 : memref<!tpu.dma_semaphore, #tpu.memory_space<semaphore_mem>>)
    %dma_wait3A_978 = arith.constant 1 : i32
    %dma_wait3A_979 = arith.constant 0 : i32
    %dma_wait3A_980 = arith.constant 0 : i32
    %dma_wait3A_981 = arith.constant 0 : i32
    %dma_wait3A_982 = tpu.memref_slice %arg6[%dma_wait3A_978, %dma_wait3A_979, %dma_wait3A_980, %dma_wait3A_981] : memref<2x64x1x768xf32, #tpu.memory_space<vmem>> -> memref<1x64x1x768xf32, #tpu.memory_space<vmem>>
    %dma_wait3A_983 = tpu.memref_squeeze %dma_wait3A_982 : memref<1x64x1x768xf32, #tpu.memory_space<vmem>> -> memref<64x1x768xf32, #tpu.memory_space<vmem>>
    %dma_wait3A_984 = arith.constant 0 : i32
    %dma_wait3A_985 = arith.constant 0 : i32
    %dma_wait3A_986 = tpu.memref_slice %arg4[%select_n3A, %add3A_958, %dma_wait3A_984, %dma_wait3A_985] : memref<4x8192x1x768xf32, #tpu.memory_space<hbm>> -> memref<1x64x1x768xf32, #tpu.memory_space<hbm>>
    %dma_wait3A_987 = tpu.memref_squeeze %dma_wait3A_986 : memref<1x64x1x768xf32, #tpu.memory_space<hbm>> -> memref<64x1x768xf32, #tpu.memory_space<hbm>>
    %dma_wait3A_988 = arith.constant 0 : i32
    %dma_wait3A_989 = arith.constant 0 : i32
    %dma_wait3A_990 = tpu.memref_slice %arg4[%select_n3A, %add3A_958, %dma_wait3A_988, %dma_wait3A_989] : memref<4x8192x1x768xf32, #tpu.memory_space<hbm>> -> memref<1x64x1x768xf32, #tpu.memory_space<hbm>>
    %dma_wait3A_991 = tpu.memref_squeeze %dma_wait3A_990 : memref<1x64x1x768xf32, #tpu.memory_space<hbm>> -> memref<64x1x768xf32, #tpu.memory_space<hbm>>
    %dma_wait3A_992 = arith.constant 0 : i32
    %dma_wait3A_993 = arith.constant 0 : i32
    %dma_wait3A_994 = arith.constant 0 : i32
    %dma_wait3A_995 = tpu.memref_slice %arg6[%dma_wait3A_978, %dma_wait3A_992, %dma_wait3A_993, %dma_wait3A_994] : memref<2x64x1x768xf32, #tpu.memory_space<vmem>> -> memref<1x64x1x768xf32, #tpu.memory_space<vmem>>
    %dma_wait3A_996 = tpu.memref_squeeze %dma_wait3A_995 : memref<1x64x1x768xf32, #tpu.memory_space<vmem>> -> memref<64x1x768xf32, #tpu.memory_space<vmem>>
    tpu.wait_dma2 semaphore(%arg10 : memref<!tpu.dma_semaphore, #tpu.memory_space<semaphore_mem>>) src(%dma_wait3A_996 : memref<64x1x768xf32, #tpu.memory_space<vmem>>) dst(%dma_wait3A_991 : memref<64x1x768xf32, #tpu.memory_space<hbm>>)
    %dma_start3A_997 = arith.constant 15 : i32
    %dma_start3A_998 = arith.constant 1 : i32
    %dma_start3A_999 = arith.constant 0 : i32
    %dma_start3A_1000 = arith.constant 0 : i32
    %dma_start3A_1001 = arith.constant 0 : i32
    %dma_start3A_1002 = tpu.memref_slice %arg6[%dma_start3A_998, %dma_start3A_999, %dma_start3A_1000, %dma_start3A_1001] : memref<2x64x1x768xf32, #tpu.memory_space<vmem>> -> memref<1x64x1x768xf32, #tpu.memory_space<vmem>>
    %dma_start3A_1003 = tpu.memref_squeeze %dma_start3A_1002 : memref<1x64x1x768xf32, #tpu.memory_space<vmem>> -> memref<64x1x768xf32, #tpu.memory_space<vmem>>
    %dma_start3A_1004 = arith.constant 0 : i32
    %dma_start3A_1005 = tpu.memref_slice %arg5[%dma_start3A_997, %dma_start3A_1004] : memref<16x64xi32, #tpu.memory_space<vmem>> -> memref<1x64xi32, #tpu.memory_space<vmem>>
    %dma_start3A_1006 = tpu.memref_squeeze %dma_start3A_1005 : memref<1x64xi32, #tpu.memory_space<vmem>> -> memref<64xi32, #tpu.memory_space<vmem>>
    %dma_start3A_1007 = arith.constant 0 : i32
    %dma_start3A_1008 = arith.constant 0 : i32
    %dma_start3A_1009 = arith.constant 0 : i32
    %dma_start3A_1010 = tpu.memref_slice %arg3[%dma_start3A_1007, %dma_start3A_1008, %dma_start3A_1009] : memref<8192x1x768xf32, #tpu.memory_space<hbm>> -> memref<8192x1x768xf32, #tpu.memory_space<hbm>>
    tpu.enqueue_indirect_dma source(%dma_start3A_1010 : memref<8192x1x768xf32, #tpu.memory_space<hbm>>) target(%dma_start3A_1003 : memref<64x1x768xf32, #tpu.memory_space<vmem>>) offsets(%dma_start3A_1006 : memref<64xi32, #tpu.memory_space<vmem>>) semaphore(%arg8 : memref<!tpu.dma_semaphore, #tpu.memory_space<semaphore_mem>>)
    %dma_wait3A_1011 = arith.constant 14 : i32
    %dma_wait3A_1012 = arith.constant 0 : i32
    %dma_wait3A_1013 = arith.constant 0 : i32
    %dma_wait3A_1014 = arith.constant 0 : i32
    %dma_wait3A_1015 = arith.constant 0 : i32
    %dma_wait3A_1016 = tpu.memref_slice %arg6[%dma_wait3A_1012, %dma_wait3A_1013, %dma_wait3A_1014, %dma_wait3A_1015] : memref<2x64x1x768xf32, #tpu.memory_space<vmem>> -> memref<1x64x1x768xf32, #tpu.memory_space<vmem>>
    %dma_wait3A_1017 = tpu.memref_squeeze %dma_wait3A_1016 : memref<1x64x1x768xf32, #tpu.memory_space<vmem>> -> memref<64x1x768xf32, #tpu.memory_space<vmem>>
    %dma_wait3A_1018 = arith.constant 0 : i32
    %dma_wait3A_1019 = tpu.memref_slice %arg5[%dma_wait3A_1011, %dma_wait3A_1018] : memref<16x64xi32, #tpu.memory_space<vmem>> -> memref<1x64xi32, #tpu.memory_space<vmem>>
    %dma_wait3A_1020 = tpu.memref_squeeze %dma_wait3A_1019 : memref<1x64xi32, #tpu.memory_space<vmem>> -> memref<64xi32, #tpu.memory_space<vmem>>
    %dma_wait3A_1021 = arith.constant 0 : i32
    %dma_wait3A_1022 = arith.constant 0 : i32
    %dma_wait3A_1023 = arith.constant 0 : i32
    %dma_wait3A_1024 = tpu.memref_slice %arg3[%dma_wait3A_1021, %dma_wait3A_1022, %dma_wait3A_1023] : memref<8192x1x768xf32, #tpu.memory_space<hbm>> -> memref<8192x1x768xf32, #tpu.memory_space<hbm>>
    tpu.wait_indirect_dma semaphore(%arg7 : memref<!tpu.dma_semaphore, #tpu.memory_space<semaphore_mem>>) src(%dma_wait3A_1024 : memref<8192x1x768xf32, #tpu.memory_space<hbm>>) dst(%dma_wait3A_1017 : memref<64x1x768xf32, #tpu.memory_space<vmem>>)
    %add3A_1025 = arith.constant 896 : i32
    %add3A_1026 = arith.addi %mul3A_32, %add3A_1025 : i32
    %dma_start3A_1027 = arith.constant 0 : i32
    %dma_start3A_1028 = arith.constant 0 : i32
    %dma_start3A_1029 = arith.constant 0 : i32
    %dma_start3A_1030 = arith.constant 0 : i32
    %dma_start3A_1031 = tpu.memref_slice %arg6[%dma_start3A_1027, %dma_start3A_1028, %dma_start3A_1029, %dma_start3A_1030] : memref<2x64x1x768xf32, #tpu.memory_space<vmem>> -> memref<1x64x1x768xf32, #tpu.memory_space<vmem>>
    %dma_start3A_1032 = tpu.memref_squeeze %dma_start3A_1031 : memref<1x64x1x768xf32, #tpu.memory_space<vmem>> -> memref<64x1x768xf32, #tpu.memory_space<vmem>>
    %dma_start3A_1033 = arith.constant 0 : i32
    %dma_start3A_1034 = arith.constant 0 : i32
    %dma_start3A_1035 = tpu.memref_slice %arg4[%select_n3A, %add3A_1026, %dma_start3A_1033, %dma_start3A_1034] : memref<4x8192x1x768xf32, #tpu.memory_space<hbm>> -> memref<1x64x1x768xf32, #tpu.memory_space<hbm>>
    %dma_start3A_1036 = tpu.memref_squeeze %dma_start3A_1035 : memref<1x64x1x768xf32, #tpu.memory_space<hbm>> -> memref<64x1x768xf32, #tpu.memory_space<hbm>>
    %dma_start3A_1037 = arith.constant 0 : i32
    %dma_start3A_1038 = arith.constant 0 : i32
    %dma_start3A_1039 = tpu.memref_slice %arg4[%select_n3A, %add3A_1026, %dma_start3A_1037, %dma_start3A_1038] : memref<4x8192x1x768xf32, #tpu.memory_space<hbm>> -> memref<1x64x1x768xf32, #tpu.memory_space<hbm>>
    %dma_start3A_1040 = tpu.memref_squeeze %dma_start3A_1039 : memref<1x64x1x768xf32, #tpu.memory_space<hbm>> -> memref<64x1x768xf32, #tpu.memory_space<hbm>>
    %dma_start3A_1041 = arith.constant 0 : i32
    %dma_start3A_1042 = arith.constant 0 : i32
    %dma_start3A_1043 = arith.constant 0 : i32
    %dma_start3A_1044 = tpu.memref_slice %arg6[%dma_start3A_1027, %dma_start3A_1041, %dma_start3A_1042, %dma_start3A_1043] : memref<2x64x1x768xf32, #tpu.memory_space<vmem>> -> memref<1x64x1x768xf32, #tpu.memory_space<vmem>>
    %dma_start3A_1045 = tpu.memref_squeeze %dma_start3A_1044 : memref<1x64x1x768xf32, #tpu.memory_space<vmem>> -> memref<64x1x768xf32, #tpu.memory_space<vmem>>
    tpu.enqueue_dma source(%dma_start3A_1045 : memref<64x1x768xf32, #tpu.memory_space<vmem>>) target(%dma_start3A_1040 : memref<64x1x768xf32, #tpu.memory_space<hbm>>) target_semaphore(%arg9 : memref<!tpu.dma_semaphore, #tpu.memory_space<semaphore_mem>>)
    %dma_wait3A_1046 = arith.constant 15 : i32
    %dma_wait3A_1047 = arith.constant 1 : i32
    %dma_wait3A_1048 = arith.constant 0 : i32
    %dma_wait3A_1049 = arith.constant 0 : i32
    %dma_wait3A_1050 = arith.constant 0 : i32
    %dma_wait3A_1051 = tpu.memref_slice %arg6[%dma_wait3A_1047, %dma_wait3A_1048, %dma_wait3A_1049, %dma_wait3A_1050] : memref<2x64x1x768xf32, #tpu.memory_space<vmem>> -> memref<1x64x1x768xf32, #tpu.memory_space<vmem>>
    %dma_wait3A_1052 = tpu.memref_squeeze %dma_wait3A_1051 : memref<1x64x1x768xf32, #tpu.memory_space<vmem>> -> memref<64x1x768xf32, #tpu.memory_space<vmem>>
    %dma_wait3A_1053 = arith.constant 0 : i32
    %dma_wait3A_1054 = tpu.memref_slice %arg5[%dma_wait3A_1046, %dma_wait3A_1053] : memref<16x64xi32, #tpu.memory_space<vmem>> -> memref<1x64xi32, #tpu.memory_space<vmem>>
    %dma_wait3A_1055 = tpu.memref_squeeze %dma_wait3A_1054 : memref<1x64xi32, #tpu.memory_space<vmem>> -> memref<64xi32, #tpu.memory_space<vmem>>
    %dma_wait3A_1056 = arith.constant 0 : i32
    %dma_wait3A_1057 = arith.constant 0 : i32
    %dma_wait3A_1058 = arith.constant 0 : i32
    %dma_wait3A_1059 = tpu.memref_slice %arg3[%dma_wait3A_1056, %dma_wait3A_1057, %dma_wait3A_1058] : memref<8192x1x768xf32, #tpu.memory_space<hbm>> -> memref<8192x1x768xf32, #tpu.memory_space<hbm>>
    tpu.wait_indirect_dma semaphore(%arg8 : memref<!tpu.dma_semaphore, #tpu.memory_space<semaphore_mem>>) src(%dma_wait3A_1059 : memref<8192x1x768xf32, #tpu.memory_space<hbm>>) dst(%dma_wait3A_1052 : memref<64x1x768xf32, #tpu.memory_space<vmem>>)
    %add3A_1060 = arith.constant 960 : i32
    %add3A_1061 = arith.addi %mul3A_32, %add3A_1060 : i32
    %dma_start3A_1062 = arith.constant 1 : i32
    %dma_start3A_1063 = arith.constant 0 : i32
    %dma_start3A_1064 = arith.constant 0 : i32
    %dma_start3A_1065 = arith.constant 0 : i32
    %dma_start3A_1066 = tpu.memref_slice %arg6[%dma_start3A_1062, %dma_start3A_1063, %dma_start3A_1064, %dma_start3A_1065] : memref<2x64x1x768xf32, #tpu.memory_space<vmem>> -> memref<1x64x1x768xf32, #tpu.memory_space<vmem>>
    %dma_start3A_1067 = tpu.memref_squeeze %dma_start3A_1066 : memref<1x64x1x768xf32, #tpu.memory_space<vmem>> -> memref<64x1x768xf32, #tpu.memory_space<vmem>>
    %dma_start3A_1068 = arith.constant 0 : i32
    %dma_start3A_1069 = arith.constant 0 : i32
    %dma_start3A_1070 = tpu.memref_slice %arg4[%select_n3A, %add3A_1061, %dma_start3A_1068, %dma_start3A_1069] : memref<4x8192x1x768xf32, #tpu.memory_space<hbm>> -> memref<1x64x1x768xf32, #tpu.memory_space<hbm>>
    %dma_start3A_1071 = tpu.memref_squeeze %dma_start3A_1070 : memref<1x64x1x768xf32, #tpu.memory_space<hbm>> -> memref<64x1x768xf32, #tpu.memory_space<hbm>>
    %dma_start3A_1072 = arith.constant 0 : i32
    %dma_start3A_1073 = arith.constant 0 : i32
    %dma_start3A_1074 = tpu.memref_slice %arg4[%select_n3A, %add3A_1061, %dma_start3A_1072, %dma_start3A_1073] : memref<4x8192x1x768xf32, #tpu.memory_space<hbm>> -> memref<1x64x1x768xf32, #tpu.memory_space<hbm>>
    %dma_start3A_1075 = tpu.memref_squeeze %dma_start3A_1074 : memref<1x64x1x768xf32, #tpu.memory_space<hbm>> -> memref<64x1x768xf32, #tpu.memory_space<hbm>>
    %dma_start3A_1076 = arith.constant 0 : i32
    %dma_start3A_1077 = arith.constant 0 : i32
    %dma_start3A_1078 = arith.constant 0 : i32
    %dma_start3A_1079 = tpu.memref_slice %arg6[%dma_start3A_1062, %dma_start3A_1076, %dma_start3A_1077, %dma_start3A_1078] : memref<2x64x1x768xf32, #tpu.memory_space<vmem>> -> memref<1x64x1x768xf32, #tpu.memory_space<vmem>>
    %dma_start3A_1080 = tpu.memref_squeeze %dma_start3A_1079 : memref<1x64x1x768xf32, #tpu.memory_space<vmem>> -> memref<64x1x768xf32, #tpu.memory_space<vmem>>
    tpu.enqueue_dma source(%dma_start3A_1080 : memref<64x1x768xf32, #tpu.memory_space<vmem>>) target(%dma_start3A_1075 : memref<64x1x768xf32, #tpu.memory_space<hbm>>) target_semaphore(%arg10 : memref<!tpu.dma_semaphore, #tpu.memory_space<semaphore_mem>>)
    %dma_wait3A_1081 = arith.constant 1 : i32
    %dma_wait3A_1082 = arith.constant 0 : i32
    %dma_wait3A_1083 = arith.constant 0 : i32
    %dma_wait3A_1084 = arith.constant 0 : i32
    %dma_wait3A_1085 = tpu.memref_slice %arg6[%dma_wait3A_1081, %dma_wait3A_1082, %dma_wait3A_1083, %dma_wait3A_1084] : memref<2x64x1x768xf32, #tpu.memory_space<vmem>> -> memref<1x64x1x768xf32, #tpu.memory_space<vmem>>
    %dma_wait3A_1086 = tpu.memref_squeeze %dma_wait3A_1085 : memref<1x64x1x768xf32, #tpu.memory_space<vmem>> -> memref<64x1x768xf32, #tpu.memory_space<vmem>>
    %dma_wait3A_1087 = arith.constant 0 : i32
    %dma_wait3A_1088 = arith.constant 0 : i32
    %dma_wait3A_1089 = tpu.memref_slice %arg4[%select_n3A, %add3A_1061, %dma_wait3A_1087, %dma_wait3A_1088] : memref<4x8192x1x768xf32, #tpu.memory_space<hbm>> -> memref<1x64x1x768xf32, #tpu.memory_space<hbm>>
    %dma_wait3A_1090 = tpu.memref_squeeze %dma_wait3A_1089 : memref<1x64x1x768xf32, #tpu.memory_space<hbm>> -> memref<64x1x768xf32, #tpu.memory_space<hbm>>
    %dma_wait3A_1091 = arith.constant 0 : i32
    %dma_wait3A_1092 = arith.constant 0 : i32
    %dma_wait3A_1093 = tpu.memref_slice %arg4[%select_n3A, %add3A_1061, %dma_wait3A_1091, %dma_wait3A_1092] : memref<4x8192x1x768xf32, #tpu.memory_space<hbm>> -> memref<1x64x1x768xf32, #tpu.memory_space<hbm>>
    %dma_wait3A_1094 = tpu.memref_squeeze %dma_wait3A_1093 : memref<1x64x1x768xf32, #tpu.memory_space<hbm>> -> memref<64x1x768xf32, #tpu.memory_space<hbm>>
    %dma_wait3A_1095 = arith.constant 0 : i32
    %dma_wait3A_1096 = arith.constant 0 : i32
    %dma_wait3A_1097 = arith.constant 0 : i32
    %dma_wait3A_1098 = tpu.memref_slice %arg6[%dma_wait3A_1081, %dma_wait3A_1095, %dma_wait3A_1096, %dma_wait3A_1097] : memref<2x64x1x768xf32, #tpu.memory_space<vmem>> -> memref<1x64x1x768xf32, #tpu.memory_space<vmem>>
    %dma_wait3A_1099 = tpu.memref_squeeze %dma_wait3A_1098 : memref<1x64x1x768xf32, #tpu.memory_space<vmem>> -> memref<64x1x768xf32, #tpu.memory_space<vmem>>
    tpu.wait_dma2 semaphore(%arg10 : memref<!tpu.dma_semaphore, #tpu.memory_space<semaphore_mem>>) src(%dma_wait3A_1099 : memref<64x1x768xf32, #tpu.memory_space<vmem>>) dst(%dma_wait3A_1094 : memref<64x1x768xf32, #tpu.memory_space<hbm>>)
    return
  }
}

</mosaic_0001>

<sc_bundles>
// kernel: kernel.3.cloned.1.call-start
scs
__scs_entry_jumppad:
0x0: {  	(pc) =	sbr.rel $0x88, $3  }
0x1: {  	(tag) =	ssettag $0x0;
	lr =	simm.s32 $0x1  }
0x2: {  	[smem:$0x3F9F] =	sst lr;
	_ =	strace $0xD0000000  }
0x3: {  	_ = 	snop  }
0x4: {  	_ = 	snop  }
0x5: {  	_ = 	snop  }
0x6: {  	_ = 	snop  }
0x7: {  	_ = 	snop  }
__scs_overlays_trampoline_lowered:
0x8: {  	[smem:$0x3FAE] =	sst s0  }
0x9: {  	[smem:$0x3FAF] =	sst s1  }
0xa: {  	[smem:$0x3FB0] =	sst s2  }
0xb: {  	[smem:$0x3FB1] =	sst s3  }
0xc: {  	[smem:$0x3FB2] =	sst s4  }
0xd: {  	[smem:$0x3FB3] =	sst s5  }
0xe: {  	[smem:$0x3FB4] =	sst s6  }
0xf: {  	[smem:$0x3FB5] =	sst s7  }
0x10: {  	[smem:$0x3FB6] =	sst s8  }
0x11: {  	[smem:$0x3FB7] =	sst s9;
	s0 =	simm.s32 @!p0 $0x0  }
0x12: {  	s1 =	sld [smem:$0x3F9D];
	s0 =	simm.s32 @p0 $0x1  }
0x13: {  	[smem:$0x3FB8] =	sst s0;
	s0 =	simm.s32 @!p1 $0x0  }
0x14: {  	s2 =	sld [smem:$0x3F9C];
	s0 =	simm.s32 @p1 $0x1  }
0x15: {  	[smem:$0x3FB9] =	sst s0;
	s0 =	simm.s32 @!p2 $0x0  }
0x16: {  	s3 =	sld [smem:$0x3FDB];
	s0 =	simm.s32 @p2 $0x1  }
0x17: {  	s4 =	simm.s32 $0x1BF5;
	[smem:$0x3FBB] =	sst s0  }
0x18: {  	s0 =	sld [smem:$0x3F9E];
	_ =	swait.ge [sflag:s4], $0x0  }
0x19: {  	s7 =	sld [smem:$0x3F9F]  }
0x1a: {  	s8 =	sadd.s32 $0xFFFFE003, lr  }
0x1b: {  	s9 =	sadd.s32 $0xFFFFFEF7, lr;
	s5 =	simm.s32 $0xFFFFFFFF;
	p2 =	slt.u32 s8, $0xFFFFF086  }
0x1c: {  	p1 =	slt.u32 s9, $0xF7A;
	s5 =	simm.s32 @!p2 $0x0  }
0x1d: {  	s5 =	simm.s32 @p1 $0x1;
	p0 =	seq.s32 s7, s2  }
0x1e: {  	s7 =	smul.u32 @!p0 $0xF7A, s2;
	p2 =	seq.s32 @!p0 s5, $0x0  }
0x1f: {  	s9 =	smul.u32 $0xF7A, s1;
	s8 =	simm.s32 @!p0 $0x1BF5;
	p2 =	por !p2, p0  }
0x20: {  	[sflag:s8] =	ssyncset.s32 @!p0 $0xFFFFF086;
	s6 =	sadd.s32 @!p0 s3, s7;
	s7 =	simm.s32 @!p0 $0x108  }
0x21: {  	s3 =	sadd.s32 s3, s9;
	s6 =	sadd.s32 @!p0 $0x88, s6;
	s7 =	simm.s32 @p2 $0x1082  }
0x22: {  	[simem:s7], [sflag:s8] =	dma.local @!p0 [hbm:s6], $0xF7A  }
0x23: {  	s9 =	sor.u32 $0xD0000000, s2;
	s6 =	simm.s32 $0x108;
	_ =	swait.ge @!p0 [sflag:s8], $0x0  }
0x24: {  	s3 =	sadd.s32 $0x88, s3;
	s6 =	simm.s32 @!p1 $0x1082;
	[sflag:s4] =	ssyncset.s32 $0xFFFFF086  }
0x25: {  	[simem:s6], [sflag:s4] =	dma.local [hbm:s3], $0xF7A  }
0x26: {  	[smem:$0x3F9F] =	sst s1;
	(tag) =	ssettag s2;
	_ =	strace s9  }
0x27: {  	s1 =	sld [smem:$0x3FAF]  }
0x28: {  	s2 =	sld [smem:$0x3FB0]  }
0x29: {  	s4 =	sld [smem:$0x3FB2]  }
0x2a: {  	p0 =	seq.s32 s5, $0x0;
	s5 =	sld [smem:$0x3FB3]  }
0x2b: {  	s6 =	sld [smem:$0x3FB4]  }
0x2c: {  	s7 =	sld [smem:$0x3FB5]  }
0x2d: {  	s3 =	simm.s32 $0x108;
	s8 =	sld [smem:$0x3FB6]  }
0x2e: {  	s3 =	simm.s32 @!p0 $0x1082;
	s9 =	sld [smem:$0x3FB7]  }
0x2f: {  	lr =	sadd.s32 s0, s3;
	s0 =	sld [smem:$0x3FAE]  }
0x30: {  	s3 =	sld [smem:$0x3FB1]  }
0x31: {  	[smem:$0x3FBA] =	sst s10  }
0x32: {  	s10 =	sld [smem:$0x3FB8];
	_ =	sdelay $0x3  }
0x33: {  	p0 =	seq.s32 s10, $0x1;
	s10 =	sld [smem:$0x3FBA];
	_ =	sdelay $0x3  }
0x34: {  	[smem:$0x3FBA] =	sst s10  }
0x35: {  	s10 =	sld [smem:$0x3FB9];
	_ =	sdelay $0x3  }
0x36: {  	p1 =	seq.s32 s10, $0x1;
	s10 =	sld [smem:$0x3FBA];
	_ =	sdelay $0x3  }
0x37: {  	[smem:$0x3FBA] =	sst s10  }
0x38: {  	s10 =	sld [smem:$0x3FBB]  }
0x39: {  	_ = 	snop;
	(pc) =	sbr.ind lr, $3  }
0x3a: {  	_ = 	snop  }
0x3b: {  	_ = 	snop  }
0x3c: {  	p2 =	seq.s32 s10, $0x1;
	s10 =	sld [smem:$0x3FBA]  }
0x3d: {  	_ =	shalt  }
0x3e: {  	_ =	shalt  }
0x3f: {  	_ =	shalt  }
0x40: {  	_ =	shalt  }
0x41: {  	_ =	shalt  }
0x42: {  	_ =	shalt  }
0x43: {  	_ =	shalt  }
0x44: {  	_ =	shalt  }
0x45: {  	_ =	shalt  }
0x46: {  	_ =	shalt  }
0x47: {  	_ =	shalt  }
0x48: {  	_ =	shalt  }
0x49: {  	_ =	shalt  }
0x4a: {  	_ =	shalt  }
0x4b: {  	_ =	shalt  }
0x4c: {  	_ =	shalt  }
0x4d: {  	_ =	shalt  }
0x4e: {  	_ =	shalt  }
0x4f: {  	_ =	shalt  }
0x50: {  	_ =	shalt  }
0x51: {  	_ =	shalt  }
0x52: {  	_ =	shalt  }
0x53: {  	_ =	shalt  }
0x54: {  	_ =	shalt  }
0x55: {  	_ =	shalt  }
0x56: {  	_ =	shalt  }
0x57: {  	_ =	shalt  }
0x58: {  	_ =	shalt  }
0x59: {  	_ =	shalt  }
0x5a: {  	_ =	shalt  }
0x5b: {  	_ =	shalt  }
0x5c: {  	_ =	shalt  }
0x5d: {  	_ =	shalt  }
0x5e: {  	_ =	shalt  }
0x5f: {  	_ =	shalt  }
0x60: {  	_ =	shalt  }
0x61: {  	_ =	shalt  }
0x62: {  	_ =	shalt  }
0x63: {  	_ =	shalt  }
0x64: {  	_ =	shalt  }
0x65: {  	_ =	shalt  }
0x66: {  	_ =	shalt  }
0x67: {  	_ =	shalt  }
0x68: {  	_ =	shalt  }
0x69: {  	_ =	shalt  }
0x6a: {  	_ =	shalt  }
0x6b: {  	_ =	shalt  }
0x6c: {  	_ =	shalt  }
0x6d: {  	_ =	shalt  }
0x6e: {  	_ =	shalt  }
0x6f: {  	_ =	shalt  }
0x70: {  	_ =	shalt  }
0x71: {  	_ =	shalt  }
0x72: {  	_ =	shalt  }
0x73: {  	_ =	shalt  }
0x74: {  	_ =	shalt  }
0x75: {  	_ =	shalt  }
0x76: {  	_ =	shalt  }
0x77: {  	_ =	shalt  }
0x78: {  	_ =	shalt  }
0x79: {  	_ =	shalt  }
0x7a: {  	_ =	shalt  }
0x7b: {  	_ =	shalt  }
0x7c: {  	_ =	shalt  }
0x7d: {  	_ =	shalt  }
0x7e: {  	_ =	shalt  }
0x7f: {  	_ =	shalt  }
0x80: {  	_ =	shalt  }
0x81: {  	_ =	shalt  }
0x82: {  	_ =	shalt  }
0x83: {  	_ =	shalt  }
0x84: {  	_ =	shalt  }
0x85: {  	_ =	shalt  }
0x86: {  	_ =	shalt  }
0x87: {  	_ =	shalt  }
.Lfunc_end0:
.L_simem_size_0:
called_computation_lowered:
.L_overlay_start_0:
0x88: {  	s2 =	sld [smem:$0x3FD9]  }
0x89: {  	s3 =	sld [smem:$0x3FFE];
	_ =	sdelay $0x1  }
0x8a: {  	s1 =	srdreg.scid  }
0x8b: {  	s0 =	sand.u32 $0x1, s1  }
0x8c: {  	s17 =	sshll.u32 s0, $0xA;
	s2 =	sadd.s32 s3, s2  }
0x8d: {  	s2 =	sadd.s32 s2, s17  }
0x8e: {  	[smem:$0x3FC6] =	sst s2  }
0x8f: {  	_ = 	snop  }
0x90: {  	s2 =	sld [smem:$0x3FC8]  }
0x91: {  	s18 =	sld [smem:$0x3FD0];
	(tm) =	ssettm $0x1  }
0x92: {  	s4 =	sld [smem:$0x3FFB];
	_ =	sdelay $0x3  }
0x93: {  	_ =	strace s4  }
0x94: {  	s4 =	sld [smem:$0x3FFC];
	_ =	sdelay $0x3  }
0x95: {  	_ =	strace s4  }
0x96: {  	s4 =	sld [smem:$0x3FFD];
	_ =	sdelay $0x3  }
0x97: {  	_ =	strace s4  }
0x98: {  	_ =	strace $0x8FFFFFFF  }
0x99: {  	s19 =	sld [smem:$0x3FDB];
	_ =	sdelay $0x1  }
0x9a: {  	s5 =	simm.s32 $_scs_section_size  }
0x9b: {  	s6 =	simm.s32 $_size__tile_overlayer_lowered;
	s7 =	simm.s32 $_tile_overlayer_lowered  }
0x9c: {  	s22 =	simm.s32 $0x1BFF;
	s21 =	sshll.u32 s7, $0x1;
	s4 =	sadd.s32 s5, s19  }
0x9d: {  	s8 =	simm.s32 $0x0;
	s20 =	sshll.u32 s6, $0x1;
	s6 =	sadd.s32 s21, s4  }
0x9e: {  	[timem:s8], [sflag:s22] =	dma.local [hbm:s6], s20  }
0x9f: {  	_ =	swait.ge [sflag:s22], s20  }
0xa0: {  	s5 =	ssub.s32 $0x0, s20;
	[sflag:s22] =	ssyncset.done $0x0  }
0xa1: {  	[sflag:s22] =	ssyncadd.s32 s5;
	_ =	sdelay $0x1  }
0xa2: {  	s23 =	simm.s32 $0x1B8B  }
0xa3: {  	_ =	swait.ge [sflag:s23], $0x1  }
0xa4: {  	[sflag:s23] =	ssyncset.done $0x0  }
0xa5: {  	s25 =	simm.s32 $0x1B8E;
	s24 =	sld [smem:$0x3FFE];
	[sflag:s23] =	ssyncadd.s32 $0xFFFFFFFF  }
0xa6: {  	s26 =	simm.s32 $execute0_lowered;
	[smem:$0x3FD2] =	sst s25  }
0xa7: {  	s6 =	sshll.u32 s26, $0x1;
	_ =	strace $0x80000046;
	[dreg:$0x1] =	wrdreg $0xFFFFFFFF  }
0xa8: {  	s28 =	simm.s32 $_size_execute0_lowered;
	s4 =	sadd.s32 s4, s6;
	[dreg:$0x0] =	wrdreg $0x0  }
0xa9: {  	s6 =	sshll.u32 s28, $0x1;
	[dreg:$0x2] =	wrdreg s4  }
0xaa: {  	[dreg:$0x3] =	wrdreg s6  }
0xab: {  	[dreg:$0x4] =	wrdreg $0xC0  }
0xac: {  	_ =	task [dreg:s8], $0x5FFFF  }
0xad: {  	[dreg:$0x1] =	wrdreg $0xFFFFFFFF  }
0xae: {  	[dreg:$0x0] =	wrdreg $0x60  }
0xaf: {  	[dreg:$0x2] =	wrdreg s24  }
0xb0: {  	[dreg:$0x3] =	wrdreg s2  }
0xb1: {  	[dreg:$0x4] =	wrdreg s18  }
0xb2: {  	[dreg:$0x5] =	wrdreg $0x9  }
0xb3: {  	_ =	task.clear_ibuf [dreg:s8], $0x6FFFF;
	_ =	strace $0x90000046  }
0xb4: {  	s29 =	simm.s32 $0x9;
	_ =	strace $0x80000048  }
0xb5: {  	_ =	swait.ge [sflag:s29], $0x1  }
0xb6: {  	[sflag:s29] =	ssyncadd.s32 $0xFFFFFFFF  }
0xb7: {  	_ =	strace $0x90000048  }
0xb8: {  	_ =	sfence  }
0xb9: {  	s30 =	sld [smem:$0x0];
	_ =	sdelay $0x2  }
0xba: {  	s31 =	sshll.u32 s1, $0xD;
	s1 =	sshrl.u32 s1, $0x2  }
0xbb: {  	s3 =	sand.u32 $0x4000, s31;
	s1 =	sadd.s32 s1, s30  }
0xbc: {  	s0 =	sor.u32 s3, s0;
	s1 =	sshll.u32 s1, $0x11  }
0xbd: {  	s0 =	sor.u32 s1, s0  }
0xbe: {  	s0 =	sadd.s32 $0x8F2B, s0  }
0xbf: {  	[sflag:s0] =	ssyncadd.remote.s32 $0x1  }
0xc0: {  	_ =	sfence.sel $0xFFFF  }
0xc1: {  	[dreg:$0x0] =	wrdreg $0xFFFFFFFF;
	(pc) =	sbr.abs _section_cstart, $3  }
0xc2: {  	[dreg:$0x1] =	wrdreg $0xFFFFFFFF  }
0xc3: {  	_ =	task.clear_ibuf [dreg:s8], $0x2FFFF;
	_ =	strace $0x9FFFFFFF  }
0xc4: {  	(tm) =	ssettm $0x7FFFFFFF  }
0xc5: {  	_ =	shalt  }
tec
execute0_lowered:
.L_overlay_start_1:
0x0: {  	(tag) =	ssettag $0x1  }
0x1: {  	s1 =	srdreg.scid;
	s0 =	stileid.u32  }
0x2: {  	s1 =	sand.u32 $0x1, s1;
	s2 =	sshll.u32 s0, $0x1  }
0x3: {  	s3 =	sshrl.u32 s0, $0x2;
	s5 =	sor.u32 s1, s2  }
0x4: {  	s4 =	rddreg [dreg:$0x0];
	s7 =	smul.u32 $0x600000, s3;
	s6 =	sand.u32 $0x7, s5  }
0x5: {  	s8 =	rddreg [dreg:$0x2];
	s5 =	sshll.u32 s5, $0x8;
	s6 =	smul.u32 $0xC0000, s6  }
0x6: {  	s2 =	rddreg [dreg:$0x1];
	s3 =	simm.s32 $0x0;
	s4 =	sadd.s32 s5, s4  }
0x7: {  	[smem:$0x7FF] =	sst s3;
	s15 =	sadd.s32 $0x400, s4;
	s6 =	sadd.s32 s7, s6  }
0x8: {  	_ =	strace $0x80000047;
	[dreg:$0x4] =	wrdreg s15;
	s14 =	sshrl.u32 s6, $0x3  }
0x9: {  	s6 =	rddreg [dreg:$0x4];
	s4 =	sadd.s32 s8, s14  }
0xa: {  	[tilespmem:s3], [sflag:$0x5] =	stream.linear.gather [hbm4b:s6+s3], $0x800, $0x38;
	[tilespmem:$0x18800] =	vst v63  }
0xb: {  	s5 =	sadd.s32 $0x1800, s4  }
0xc: {  	s16 =	sadd.s32 $0x3000, s4;
	[dreg:$0x5] =	wrdreg s5  }
0xd: {  	s17 =	sadd.s32 $0x4800, s4;
	[dreg:$0x6] =	wrdreg s16  }
0xe: {  	s18 =	sadd.s32 $0x6000, s4;
	[dreg:$0x7] =	wrdreg s17  }
0xf: {  	s19 =	sadd.s32 $0x7800, s4;
	[dreg:$0x8] =	wrdreg s18  }
0x10: {  	s20 =	sadd.s32 $0x9000, s4;
	[dreg:$0x9] =	wrdreg s19  }
0x11: {  	s21 =	sadd.s32 $0xA800, s4;
	[dreg:$0xa] =	wrdreg s20  }
0x12: {  	s22 =	sadd.s32 $0xC000, s4;
	[dreg:$0xb] =	wrdreg s21  }
0x13: {  	s23 =	sadd.s32 $0xD800, s4;
	[dreg:$0xc] =	wrdreg s22  }
0x14: {  	s24 =	sadd.s32 $0xF000, s4;
	[dreg:$0xd] =	wrdreg s23  }
0x15: {  	s25 =	sadd.s32 $0x10800, s4;
	[dreg:$0xe] =	wrdreg s24  }
0x16: {  	s26 =	sadd.s32 $0x12000, s4;
	[dreg:$0xf] =	wrdreg s25  }
0x17: {  	[dreg:$0x10] =	wrdreg s26;
	s5 =	simm.s32 $0x5  }
0x18: {  	_ =	swait.ge [sflag:s5], $0x800  }
0x19: {  	[sflag:s5] =	ssyncset.done $0x0  }
0x1a: {  	s7 =	simm.s32 $0x800;
	s6 =	simm.s32 $0x40;
	[sflag:s5] =	ssyncadd.s32 $0xFFFFF800  }
0x1b: {  	[tilespmem:s7], [sflag:$0x1] =	stream.indirect.gather [hbm4b:s2+s6], $0x300, s3, s6, $0xb8;
	[tilespmem:$0x18800] =	vst v63  }
0x1c: {  	s9 =	simm.s32 $0xC800;
	s10 =	simm.s32 $0x1;
	s8 =	simm.s32 $0x80  }
0x1d: {  	[tilespmem:s9], [sflag:$0x2] =	stream.indirect.gather [hbm4b:s2+s6], $0x300, s8, s6, $0xb8;
	[tilespmem:$0x18800] =	vst v63  }
0x1e: {  	_ =	swait.ge [sflag:s10], $0xC000  }
0x1f: {  	[sflag:s10] =	ssyncset.done $0x0  }
0x20: {  	s11 =	simm.s32 $0x3;
	[sflag:s10] =	ssyncadd.s32 $0xFFFF4000  }
0x21: {  	[hbm4b:s4+s3] =	stream.linear.scatter [tilespmem:s7], [sflag:$0x3], $0xC000, $0x38;
	[tilespmem:$0x18800] =	vst v63  }
0x22: {  	_ =	swait.ge [sflag:s11], $0xC000  }
0x23: {  	[sflag:s11] =	ssyncset.done $0x0  }
0x24: {  	s12 =	simm.s32 $0x100;
	s13 =	simm.s32 $0x2;
	[sflag:s11] =	ssyncadd.s32 $0xFFFF4000  }
0x25: {  	[tilespmem:s7], [sflag:$0x1] =	stream.indirect.gather [hbm4b:s2+s6], $0x300, s12, s6, $0xb8;
	[tilespmem:$0x18800] =	vst v63  }
0x26: {  	_ =	swait.ge [sflag:s13], $0xC000  }
0x27: {  	[sflag:s13] =	ssyncset.done $0x0  }
0x28: {  	s14 =	simm.s32 $0x4;
	s15 =	rddreg [dreg:$0x5];
	[sflag:s13] =	ssyncadd.s32 $0xFFFF4000  }
0x29: {  	[hbm4b:s15+s3] =	stream.linear.scatter [tilespmem:s9], [sflag:$0x4], $0xC000, $0x38;
	[tilespmem:$0x18800] =	vst v63  }
0x2a: {  	_ =	swait.ge [sflag:s14], $0xC000  }
0x2b: {  	[sflag:s14] =	ssyncset.done $0x0  }
0x2c: {  	s15 =	simm.s32 $0x180;
	[sflag:s14] =	ssyncadd.s32 $0xFFFF4000  }
0x2d: {  	[tilespmem:s9], [sflag:$0x2] =	stream.indirect.gather [hbm4b:s2+s6], $0x300, s15, s6, $0xb8;
	[tilespmem:$0x18800] =	vst v63  }
0x2e: {  	_ =	swait.ge [sflag:s10], $0xC000  }
0x2f: {  	[sflag:s10] =	ssyncset.done $0x0  }
0x30: {  	s16 =	rddreg [dreg:$0x6];
	[sflag:s10] =	ssyncadd.s32 $0xFFFF4000  }
0x31: {  	[hbm4b:s16+s3] =	stream.linear.scatter [tilespmem:s7], [sflag:$0x3], $0xC000, $0x38;
	[tilespmem:$0x18800] =	vst v63  }
0x32: {  	_ =	swait.ge [sflag:s11], $0xC000  }
0x33: {  	[sflag:s11] =	ssyncset.done $0x0  }
0x34: {  	s16 =	simm.s32 $0x200;
	[sflag:s11] =	ssyncadd.s32 $0xFFFF4000  }
0x35: {  	[tilespmem:s7], [sflag:$0x1] =	stream.indirect.gather [hbm4b:s2+s6], $0x300, s16, s6, $0xb8;
	[tilespmem:$0x18800] =	vst v63  }
0x36: {  	_ =	swait.ge [sflag:s13], $0xC000  }
0x37: {  	[sflag:s13] =	ssyncset.done $0x0  }
0x38: {  	s17 =	rddreg [dreg:$0x7];
	[sflag:s13] =	ssyncadd.s32 $0xFFFF4000  }
0x39: {  	[hbm4b:s17+s3] =	stream.linear.scatter [tilespmem:s9], [sflag:$0x4], $0xC000, $0x38;
	[tilespmem:$0x18800] =	vst v63  }
0x3a: {  	_ =	swait.ge [sflag:s14], $0xC000  }
0x3b: {  	[sflag:s14] =	ssyncset.done $0x0  }
0x3c: {  	s17 =	simm.s32 $0x280;
	[sflag:s14] =	ssyncadd.s32 $0xFFFF4000  }
0x3d: {  	[tilespmem:s9], [sflag:$0x2] =	stream.indirect.gather [hbm4b:s2+s6], $0x300, s17, s6, $0xb8;
	[tilespmem:$0x18800] =	vst v63  }
0x3e: {  	_ =	swait.ge [sflag:s10], $0xC000  }
0x3f: {  	[sflag:s10] =	ssyncset.done $0x0  }
0x40: {  	s18 =	rddreg [dreg:$0x8];
	[sflag:s10] =	ssyncadd.s32 $0xFFFF4000  }
0x41: {  	[hbm4b:s18+s3] =	stream.linear.scatter [tilespmem:s7], [sflag:$0x3], $0xC000, $0x38;
	[tilespmem:$0x18800] =	vst v63  }
0x42: {  	_ =	swait.ge [sflag:s11], $0xC000  }
0x43: {  	[sflag:s11] =	ssyncset.done $0x0  }
0x44: {  	s18 =	simm.s32 $0x300;
	[sflag:s11] =	ssyncadd.s32 $0xFFFF4000  }
0x45: {  	[tilespmem:s7], [sflag:$0x1] =	stream.indirect.gather [hbm4b:s2+s6], $0x300, s18, s6, $0xb8;
	[tilespmem:$0x18800] =	vst v63  }
0x46: {  	_ =	swait.ge [sflag:s13], $0xC000  }
0x47: {  	[sflag:s13] =	ssyncset.done $0x0  }
0x48: {  	s19 =	rddreg [dreg:$0x9];
	[sflag:s13] =	ssyncadd.s32 $0xFFFF4000  }
0x49: {  	[hbm4b:s19+s3] =	stream.linear.scatter [tilespmem:s9], [sflag:$0x4], $0xC000, $0x38;
	[tilespmem:$0x18800] =	vst v63  }
0x4a: {  	_ =	swait.ge [sflag:s14], $0xC000  }
0x4b: {  	[sflag:s14] =	ssyncset.done $0x0  }
0x4c: {  	s19 =	simm.s32 $0x380;
	[sflag:s14] =	ssyncadd.s32 $0xFFFF4000  }
0x4d: {  	[tilespmem:s9], [sflag:$0x2] =	stream.indirect.gather [hbm4b:s2+s6], $0x300, s19, s6, $0xb8;
	[tilespmem:$0x18800] =	vst v63  }
0x4e: {  	_ =	swait.ge [sflag:s10], $0xC000  }
0x4f: {  	[sflag:s10] =	ssyncset.done $0x0  }
0x50: {  	s20 =	rddreg [dreg:$0xa];
	[sflag:s10] =	ssyncadd.s32 $0xFFFF4000  }
0x51: {  	[hbm4b:s20+s3] =	stream.linear.scatter [tilespmem:s7], [sflag:$0x3], $0xC000, $0x38;
	[tilespmem:$0x18800] =	vst v63  }
0x52: {  	_ =	swait.ge [sflag:s11], $0xC000  }
0x53: {  	[sflag:s11] =	ssyncset.done $0x0  }
0x54: {  	s20 =	simm.s32 $0x400;
	[sflag:s11] =	ssyncadd.s32 $0xFFFF4000  }
0x55: {  	[tilespmem:s7], [sflag:$0x1] =	stream.indirect.gather [hbm4b:s2+s6], $0x300, s20, s6, $0xb8;
	[tilespmem:$0x18800] =	vst v63  }
0x56: {  	_ =	swait.ge [sflag:s13], $0xC000  }
0x57: {  	[sflag:s13] =	ssyncset.done $0x0  }
0x58: {  	s21 =	rddreg [dreg:$0xb];
	[sflag:s13] =	ssyncadd.s32 $0xFFFF4000  }
0x59: {  	[hbm4b:s21+s3] =	stream.linear.scatter [tilespmem:s9], [sflag:$0x4], $0xC000, $0x38;
	[tilespmem:$0x18800] =	vst v63  }
0x5a: {  	_ =	swait.ge [sflag:s14], $0xC000  }
0x5b: {  	[sflag:s14] =	ssyncset.done $0x0  }
0x5c: {  	s21 =	simm.s32 $0x480;
	[sflag:s14] =	ssyncadd.s32 $0xFFFF4000  }
0x5d: {  	[tilespmem:s9], [sflag:$0x2] =	stream.indirect.gather [hbm4b:s2+s6], $0x300, s21, s6, $0xb8;
	[tilespmem:$0x18800] =	vst v63  }
0x5e: {  	_ =	swait.ge [sflag:s10], $0xC000  }
0x5f: {  	[sflag:s10] =	ssyncset.done $0x0  }
0x60: {  	s22 =	rddreg [dreg:$0xc];
	[sflag:s10] =	ssyncadd.s32 $0xFFFF4000  }
0x61: {  	[hbm4b:s22+s3] =	stream.linear.scatter [tilespmem:s7], [sflag:$0x3], $0xC000, $0x38;
	[tilespmem:$0x18800] =	vst v63  }
0x62: {  	_ =	swait.ge [sflag:s11], $0xC000  }
0x63: {  	[sflag:s11] =	ssyncset.done $0x0  }
0x64: {  	s22 =	simm.s32 $0x500;
	[sflag:s11] =	ssyncadd.s32 $0xFFFF4000  }
0x65: {  	[tilespmem:s7], [sflag:$0x1] =	stream.indirect.gather [hbm4b:s2+s6], $0x300, s22, s6, $0xb8;
	[tilespmem:$0x18800] =	vst v63  }
0x66: {  	_ =	swait.ge [sflag:s13], $0xC000  }
0x67: {  	[sflag:s13] =	ssyncset.done $0x0  }
0x68: {  	s23 =	rddreg [dreg:$0xd];
	[sflag:s13] =	ssyncadd.s32 $0xFFFF4000  }
0x69: {  	[hbm4b:s23+s3] =	stream.linear.scatter [tilespmem:s9], [sflag:$0x4], $0xC000, $0x38;
	[tilespmem:$0x18800] =	vst v63  }
0x6a: {  	_ =	swait.ge [sflag:s14], $0xC000  }
0x6b: {  	[sflag:s14] =	ssyncset.done $0x0  }
0x6c: {  	s23 =	simm.s32 $0x580;
	[sflag:s14] =	ssyncadd.s32 $0xFFFF4000  }
0x6d: {  	[tilespmem:s9], [sflag:$0x2] =	stream.indirect.gather [hbm4b:s2+s6], $0x300, s23, s6, $0xb8;
	[tilespmem:$0x18800] =	vst v63  }
0x6e: {  	_ =	swait.ge [sflag:s10], $0xC000  }
0x6f: {  	[sflag:s10] =	ssyncset.done $0x0  }
0x70: {  	s24 =	rddreg [dreg:$0xe];
	[sflag:s10] =	ssyncadd.s32 $0xFFFF4000  }
0x71: {  	[hbm4b:s24+s3] =	stream.linear.scatter [tilespmem:s7], [sflag:$0x3], $0xC000, $0x38;
	[tilespmem:$0x18800] =	vst v63  }
0x72: {  	_ =	swait.ge [sflag:s11], $0xC000  }
0x73: {  	[sflag:s11] =	ssyncset.done $0x0  }
0x74: {  	s24 =	simm.s32 $0x600;
	[sflag:s11] =	ssyncadd.s32 $0xFFFF4000  }
0x75: {  	[tilespmem:s7], [sflag:$0x1] =	stream.indirect.gather [hbm4b:s2+s6], $0x300, s24, s6, $0xb8;
	[tilespmem:$0x18800] =	vst v63  }
0x76: {  	_ =	swait.ge [sflag:s13], $0xC000  }
0x77: {  	[sflag:s13] =	ssyncset.done $0x0  }
0x78: {  	s25 =	rddreg [dreg:$0xf];
	[sflag:s13] =	ssyncadd.s32 $0xFFFF4000  }
0x79: {  	[hbm4b:s25+s3] =	stream.linear.scatter [tilespmem:s9], [sflag:$0x4], $0xC000, $0x38;
	[tilespmem:$0x18800] =	vst v63  }
0x7a: {  	_ =	swait.ge [sflag:s14], $0xC000  }
0x7b: {  	[sflag:s14] =	ssyncset.done $0x0  }
0x7c: {  	s25 =	simm.s32 $0x680;
	[sflag:s14] =	ssyncadd.s32 $0xFFFF4000  }
0x7d: {  	[tilespmem:s9], [sflag:$0x2] =	stream.indirect.gather [hbm4b:s2+s6], $0x300, s25, s6, $0xb8;
	[tilespmem:$0x18800] =	vst v63  }
0x7e: {  	_ =	swait.ge [sflag:s10], $0xC000  }
0x7f: {  	[sflag:s10] =	ssyncset.done $0x0  }
0x80: {  	s26 =	rddreg [dreg:$0x10];
	[sflag:s10] =	ssyncadd.s32 $0xFFFF4000  }
0x81: {  	[hbm4b:s26+s3] =	stream.linear.scatter [tilespmem:s7], [sflag:$0x3], $0xC000, $0x38;
	[tilespmem:$0x18800] =	vst v63  }
0x82: {  	_ =	swait.ge [sflag:s11], $0xC000  }
0x83: {  	[sflag:s11] =	ssyncset.done $0x0  }
0x84: {  	s26 =	simm.s32 $0x700;
	[sflag:s11] =	ssyncadd.s32 $0xFFFF4000  }
0x85: {  	[tilespmem:s7], [sflag:$0x1] =	stream.indirect.gather [hbm4b:s2+s6], $0x300, s26, s6, $0xb8;
	[tilespmem:$0x18800] =	vst v63  }
0x86: {  	_ =	swait.ge [sflag:s13], $0xC000  }
0x87: {  	[sflag:s13] =	ssyncset.done $0x0  }
0x88: {  	s28 =	sadd.s32 $0x13800, s4;
	[sflag:s13] =	ssyncadd.s32 $0xFFFF4000  }
0x89: {  	[hbm4b:s28+s3] =	stream.linear.scatter [tilespmem:s9], [sflag:$0x4], $0xC000, $0x38;
	[tilespmem:$0x18800] =	vst v63  }
0x8a: {  	_ =	swait.ge [sflag:s14], $0xC000  }
0x8b: {  	s1 =	ssub.s32 $0x2, s1;
	[sflag:s14] =	ssyncset.done $0x0  }
0x8c: {  	s29 =	simm.s32 $0x780;
	s31 =	sshrl.u32 s1, $0x1;
	[sflag:s14] =	ssyncadd.s32 $0xFFFF4000  }
0x8d: {  	[tilespmem:s9], [sflag:$0x2] =	stream.indirect.gather [hbm4b:s2+s6], $0x300, s29, s6, $0xb8;
	[tilespmem:$0x18800] =	vst v63  }
0x8e: {  	s1 =	ssub.s32 s1, s31;
	_ =	swait.ge [sflag:s10], $0xC000  }
0x8f: {  	s1 =	smax.u32 s1, $0x1;
	[sflag:s10] =	ssyncset.done $0x0  }
0x90: {  	p0 =	sne.s32 s1, $0x1;
	s30 =	sadd.s32 $0x15000, s4;
	[sflag:s10] =	ssyncadd.s32 $0xFFFF4000  }
0x91: {  	[hbm4b:s30+s3] =	stream.linear.scatter [tilespmem:s7], [sflag:$0x3], $0xC000, $0x38;
	[tilespmem:$0x18800] =	vst v63  }
.Ltmp0:
0x92: {  	_ =	swait.ge [sflag:s13], $0xC000;
	(pc) =	sbr.rel @!p0 .LBB2_2-.Ltmp0, $4  }
0x93: {  	[sflag:s13] =	ssyncset.done $0x0  }
0x94: {  	s31 =	sadd.s32 $0x16800, s4;
	[sflag:s13] =	ssyncadd.s32 $0xFFFF4000  }
0x95: {  	[hbm4b:s31+s3] =	stream.linear.scatter [tilespmem:s9], [sflag:$0x4], $0xC000, $0x38;
	[tilespmem:$0x18800] =	vst v63  }
0x96: {  	s1 =	sadd.s32 $0xFFFFFFFF, s1;
	_ =	swait.ge [sflag:s14], $0xC000  }
.LBB2_1:
0x97: {  	[sflag:s14] =	ssyncset.done $0x0  }
0x98: {  	s0 =	rddreg [dreg:$0x4];
	[sflag:s14] =	ssyncadd.s32 $0xFFFF4000  }
0x99: {  	[tilespmem:s3], [sflag:$0x5] =	stream.linear.gather [hbm4b:s0+s3], $0x800, $0x38;
	[tilespmem:$0x18800] =	vst v63  }
0x9a: {  	_ =	swait.ge [sflag:s5], $0x800  }
0x9b: {  	[sflag:s5] =	ssyncset.done $0x0  }
0x9c: {  	[sflag:s5] =	ssyncadd.s32 $0xFFFFF800  }
0x9d: {  	[tilespmem:s7], [sflag:$0x1] =	stream.indirect.gather [hbm4b:s2+s6], $0x300, s3, s6, $0xb8;
	[tilespmem:$0x18800] =	vst v63  }
0x9e: {  	_ = 	snop  }
0x9f: {  	[tilespmem:s9], [sflag:$0x2] =	stream.indirect.gather [hbm4b:s2+s6], $0x300, s8, s6, $0xb8;
	[tilespmem:$0x18800] =	vst v63  }
0xa0: {  	_ =	swait.ge [sflag:s10], $0xC000  }
0xa1: {  	[sflag:s10] =	ssyncset.done $0x0  }
0xa2: {  	[sflag:s10] =	ssyncadd.s32 $0xFFFF4000  }
0xa3: {  	[hbm4b:s4+s3] =	stream.linear.scatter [tilespmem:s7], [sflag:$0x3], $0xC000, $0x38;
	[tilespmem:$0x18800] =	vst v63  }
0xa4: {  	_ =	swait.ge [sflag:s11], $0xC000  }
0xa5: {  	[sflag:s11] =	ssyncset.done $0x0  }
0xa6: {  	[sflag:s11] =	ssyncadd.s32 $0xFFFF4000  }
0xa7: {  	[tilespmem:s7], [sflag:$0x1] =	stream.indirect.gather [hbm4b:s2+s6], $0x300, s12, s6, $0xb8;
	[tilespmem:$0x18800] =	vst v63  }
0xa8: {  	_ =	swait.ge [sflag:s13], $0xC000  }
0xa9: {  	[sflag:s13] =	ssyncset.done $0x0  }
0xaa: {  	s0 =	rddreg [dreg:$0x5];
	[sflag:s13] =	ssyncadd.s32 $0xFFFF4000  }
0xab: {  	[hbm4b:s0+s3] =	stream.linear.scatter [tilespmem:s9], [sflag:$0x4], $0xC000, $0x38;
	[tilespmem:$0x18800] =	vst v63  }
0xac: {  	_ =	swait.ge [sflag:s14], $0xC000  }
0xad: {  	[sflag:s14] =	ssyncset.done $0x0  }
0xae: {  	[sflag:s14] =	ssyncadd.s32 $0xFFFF4000  }
0xaf: {  	[tilespmem:s9], [sflag:$0x2] =	stream.indirect.gather [hbm4b:s2+s6], $0x300, s15, s6, $0xb8;
	[tilespmem:$0x18800] =	vst v63  }
0xb0: {  	_ =	swait.ge [sflag:s10], $0xC000  }
0xb1: {  	[sflag:s10] =	ssyncset.done $0x0  }
0xb2: {  	s0 =	rddreg [dreg:$0x6];
	[sflag:s10] =	ssyncadd.s32 $0xFFFF4000  }
0xb3: {  	[hbm4b:s0+s3] =	stream.linear.scatter [tilespmem:s7], [sflag:$0x3], $0xC000, $0x38;
	[tilespmem:$0x18800] =	vst v63  }
0xb4: {  	_ =	swait.ge [sflag:s11], $0xC000  }
0xb5: {  	[sflag:s11] =	ssyncset.done $0x0  }
0xb6: {  	[sflag:s11] =	ssyncadd.s32 $0xFFFF4000  }
0xb7: {  	[tilespmem:s7], [sflag:$0x1] =	stream.indirect.gather [hbm4b:s2+s6], $0x300, s16, s6, $0xb8;
	[tilespmem:$0x18800] =	vst v63  }
0xb8: {  	_ =	swait.ge [sflag:s13], $0xC000  }
0xb9: {  	[sflag:s13] =	ssyncset.done $0x0  }
0xba: {  	s0 =	rddreg [dreg:$0x7];
	[sflag:s13] =	ssyncadd.s32 $0xFFFF4000  }
0xbb: {  	[hbm4b:s0+s3] =	stream.linear.scatter [tilespmem:s9], [sflag:$0x4], $0xC000, $0x38;
	[tilespmem:$0x18800] =	vst v63  }
0xbc: {  	_ =	swait.ge [sflag:s14], $0xC000  }
0xbd: {  	[sflag:s14] =	ssyncset.done $0x0  }
0xbe: {  	[sflag:s14] =	ssyncadd.s32 $0xFFFF4000  }
0xbf: {  	[tilespmem:s9], [sflag:$0x2] =	stream.indirect.gather [hbm4b:s2+s6], $0x300, s17, s6, $0xb8;
	[tilespmem:$0x18800] =	vst v63  }
0xc0: {  	_ =	swait.ge [sflag:s10], $0xC000  }
0xc1: {  	[sflag:s10] =	ssyncset.done $0x0  }
0xc2: {  	s0 =	rddreg [dreg:$0x8];
	[sflag:s10] =	ssyncadd.s32 $0xFFFF4000  }
0xc3: {  	[hbm4b:s0+s3] =	stream.linear.scatter [tilespmem:s7], [sflag:$0x3], $0xC000, $0x38;
	[tilespmem:$0x18800] =	vst v63  }
0xc4: {  	_ =	swait.ge [sflag:s11], $0xC000  }
0xc5: {  	[sflag:s11] =	ssyncset.done $0x0  }
0xc6: {  	[sflag:s11] =	ssyncadd.s32 $0xFFFF4000  }
0xc7: {  	[tilespmem:s7], [sflag:$0x1] =	stream.indirect.gather [hbm4b:s2+s6], $0x300, s18, s6, $0xb8;
	[tilespmem:$0x18800] =	vst v63  }
0xc8: {  	_ =	swait.ge [sflag:s13], $0xC000  }
0xc9: {  	[sflag:s13] =	ssyncset.done $0x0  }
0xca: {  	s0 =	rddreg [dreg:$0x9];
	[sflag:s13] =	ssyncadd.s32 $0xFFFF4000  }
0xcb: {  	[hbm4b:s0+s3] =	stream.linear.scatter [tilespmem:s9], [sflag:$0x4], $0xC000, $0x38;
	[tilespmem:$0x18800] =	vst v63  }
0xcc: {  	_ =	swait.ge [sflag:s14], $0xC000  }
0xcd: {  	[sflag:s14] =	ssyncset.done $0x0  }
0xce: {  	[sflag:s14] =	ssyncadd.s32 $0xFFFF4000  }
0xcf: {  	[tilespmem:s9], [sflag:$0x2] =	stream.indirect.gather [hbm4b:s2+s6], $0x300, s19, s6, $0xb8;
	[tilespmem:$0x18800] =	vst v63  }
0xd0: {  	_ =	swait.ge [sflag:s10], $0xC000  }
0xd1: {  	[sflag:s10] =	ssyncset.done $0x0  }
0xd2: {  	s0 =	rddreg [dreg:$0xa];
	[sflag:s10] =	ssyncadd.s32 $0xFFFF4000  }
0xd3: {  	[hbm4b:s0+s3] =	stream.linear.scatter [tilespmem:s7], [sflag:$0x3], $0xC000, $0x38;
	[tilespmem:$0x18800] =	vst v63  }
0xd4: {  	_ =	swait.ge [sflag:s11], $0xC000  }
0xd5: {  	[sflag:s11] =	ssyncset.done $0x0  }
0xd6: {  	[sflag:s11] =	ssyncadd.s32 $0xFFFF4000  }
0xd7: {  	[tilespmem:s7], [sflag:$0x1] =	stream.indirect.gather [hbm4b:s2+s6], $0x300, s20, s6, $0xb8;
	[tilespmem:$0x18800] =	vst v63  }
0xd8: {  	_ =	swait.ge [sflag:s13], $0xC000  }
0xd9: {  	[sflag:s13] =	ssyncset.done $0x0  }
0xda: {  	s0 =	rddreg [dreg:$0xb];
	[sflag:s13] =	ssyncadd.s32 $0xFFFF4000  }
0xdb: {  	[hbm4b:s0+s3] =	stream.linear.scatter [tilespmem:s9], [sflag:$0x4], $0xC000, $0x38;
	[tilespmem:$0x18800] =	vst v63  }
0xdc: {  	_ =	swait.ge [sflag:s14], $0xC000  }
0xdd: {  	[sflag:s14] =	ssyncset.done $0x0  }
0xde: {  	[sflag:s14] =	ssyncadd.s32 $0xFFFF4000  }
0xdf: {  	[tilespmem:s9], [sflag:$0x2] =	stream.indirect.gather [hbm4b:s2+s6], $0x300, s21, s6, $0xb8;
	[tilespmem:$0x18800] =	vst v63  }
0xe0: {  	_ =	swait.ge [sflag:s10], $0xC000  }
0xe1: {  	[sflag:s10] =	ssyncset.done $0x0  }
0xe2: {  	s0 =	rddreg [dreg:$0xc];
	[sflag:s10] =	ssyncadd.s32 $0xFFFF4000  }
0xe3: {  	[hbm4b:s0+s3] =	stream.linear.scatter [tilespmem:s7], [sflag:$0x3], $0xC000, $0x38;
	[tilespmem:$0x18800] =	vst v63  }
0xe4: {  	_ =	swait.ge [sflag:s11], $0xC000  }
0xe5: {  	[sflag:s11] =	ssyncset.done $0x0  }
0xe6: {  	[sflag:s11] =	ssyncadd.s32 $0xFFFF4000  }
0xe7: {  	[tilespmem:s7], [sflag:$0x1] =	stream.indirect.gather [hbm4b:s2+s6], $0x300, s22, s6, $0xb8;
	[tilespmem:$0x18800] =	vst v63  }
0xe8: {  	_ =	swait.ge [sflag:s13], $0xC000  }
0xe9: {  	[sflag:s13] =	ssyncset.done $0x0  }
0xea: {  	s0 =	rddreg [dreg:$0xd];
	[sflag:s13] =	ssyncadd.s32 $0xFFFF4000  }
0xeb: {  	[hbm4b:s0+s3] =	stream.linear.scatter [tilespmem:s9], [sflag:$0x4], $0xC000, $0x38;
	[tilespmem:$0x18800] =	vst v63  }
0xec: {  	_ =	swait.ge [sflag:s14], $0xC000  }
0xed: {  	[sflag:s14] =	ssyncset.done $0x0  }
0xee: {  	[sflag:s14] =	ssyncadd.s32 $0xFFFF4000  }
0xef: {  	[tilespmem:s9], [sflag:$0x2] =	stream.indirect.gather [hbm4b:s2+s6], $0x300, s23, s6, $0xb8;
	[tilespmem:$0x18800] =	vst v63  }
0xf0: {  	_ =	swait.ge [sflag:s10], $0xC000  }
0xf1: {  	[sflag:s10] =	ssyncset.done $0x0  }
0xf2: {  	s0 =	rddreg [dreg:$0xe];
	[sflag:s10] =	ssyncadd.s32 $0xFFFF4000  }
0xf3: {  	[hbm4b:s0+s3] =	stream.linear.scatter [tilespmem:s7], [sflag:$0x3], $0xC000, $0x38;
	[tilespmem:$0x18800] =	vst v63  }
0xf4: {  	_ =	swait.ge [sflag:s11], $0xC000  }
0xf5: {  	[sflag:s11] =	ssyncset.done $0x0  }
0xf6: {  	[sflag:s11] =	ssyncadd.s32 $0xFFFF4000  }
0xf7: {  	[tilespmem:s7], [sflag:$0x1] =	stream.indirect.gather [hbm4b:s2+s6], $0x300, s24, s6, $0xb8;
	[tilespmem:$0x18800] =	vst v63  }
0xf8: {  	_ =	swait.ge [sflag:s13], $0xC000  }
0xf9: {  	[sflag:s13] =	ssyncset.done $0x0  }
0xfa: {  	s0 =	rddreg [dreg:$0xf];
	[sflag:s13] =	ssyncadd.s32 $0xFFFF4000  }
0xfb: {  	[hbm4b:s0+s3] =	stream.linear.scatter [tilespmem:s9], [sflag:$0x4], $0xC000, $0x38;
	[tilespmem:$0x18800] =	vst v63  }
0xfc: {  	_ =	swait.ge [sflag:s14], $0xC000  }
0xfd: {  	[sflag:s14] =	ssyncset.done $0x0  }
0xfe: {  	[sflag:s14] =	ssyncadd.s32 $0xFFFF4000  }
0xff: {  	[tilespmem:s9], [sflag:$0x2] =	stream.indirect.gather [hbm4b:s2+s6], $0x300, s25, s6, $0xb8;
	[tilespmem:$0x18800] =	vst v63  }
0x100: {  	_ =	swait.ge [sflag:s10], $0xC000  }
0x101: {  	[sflag:s10] =	ssyncset.done $0x0  }
0x102: {  	s0 =	rddreg [dreg:$0x10];
	[sflag:s10] =	ssyncadd.s32 $0xFFFF4000  }
0x103: {  	[hbm4b:s0+s3] =	stream.linear.scatter [tilespmem:s7], [sflag:$0x3], $0xC000, $0x38;
	[tilespmem:$0x18800] =	vst v63  }
0x104: {  	_ =	swait.ge [sflag:s11], $0xC000  }
0x105: {  	[sflag:s11] =	ssyncset.done $0x0  }
0x106: {  	[sflag:s11] =	ssyncadd.s32 $0xFFFF4000  }
0x107: {  	[tilespmem:s7], [sflag:$0x1] =	stream.indirect.gather [hbm4b:s2+s6], $0x300, s26, s6, $0xb8;
	[tilespmem:$0x18800] =	vst v63  }
0x108: {  	_ =	swait.ge [sflag:s13], $0xC000  }
0x109: {  	[sflag:s13] =	ssyncset.done $0x0  }
0x10a: {  	[sflag:s13] =	ssyncadd.s32 $0xFFFF4000  }
0x10b: {  	[hbm4b:s28+s3] =	stream.linear.scatter [tilespmem:s9], [sflag:$0x4], $0xC000, $0x38;
	[tilespmem:$0x18800] =	vst v63  }
0x10c: {  	_ =	swait.ge [sflag:s14], $0xC000  }
0x10d: {  	[sflag:s14] =	ssyncset.done $0x0  }
0x10e: {  	[sflag:s14] =	ssyncadd.s32 $0xFFFF4000  }
0x10f: {  	[tilespmem:s9], [sflag:$0x2] =	stream.indirect.gather [hbm4b:s2+s6], $0x300, s29, s6, $0xb8;
	[tilespmem:$0x18800] =	vst v63  }
0x110: {  	_ =	swait.ge [sflag:s10], $0xC000  }
0x111: {  	[sflag:s10] =	ssyncset.done $0x0  }
0x112: {  	p0 =	sne.s32 s1, $0x1;
	[sflag:s10] =	ssyncadd.s32 $0xFFFF4000  }
0x113: {  	[hbm4b:s30+s3] =	stream.linear.scatter [tilespmem:s7], [sflag:$0x3], $0xC000, $0x38;
	[tilespmem:$0x18800] =	vst v63  }
.Ltmp1:
0x114: {  	_ =	swait.ge [sflag:s13], $0xC000;
	(pc) =	sbr.rel @p0 .LBB2_1-.Ltmp1, $4  }
0x115: {  	[sflag:s13] =	ssyncset.done $0x0  }
0x116: {  	[sflag:s13] =	ssyncadd.s32 $0xFFFF4000  }
0x117: {  	[hbm4b:s31+s3] =	stream.linear.scatter [tilespmem:s9], [sflag:$0x4], $0xC000, $0x38;
	[tilespmem:$0x18800] =	vst v63  }
0x118: {  	s1 =	sadd.s32 $0xFFFFFFFF, s1;
	_ =	swait.ge [sflag:s14], $0xC000  }
.LBB2_2:
0x119: {  	[sflag:s14] =	ssyncset.done $0x0  }
0x11a: {  	[sflag:s14] =	ssyncadd.s32 $0xFFFF4000  }
0x11b: {  	_ =	sfence.sel $0x180000  }
0x11c: {  	[bflag:$0x0] =	sbarrier.arrive $0xFFFF  }
0x11d: {  	_ =	strace $0x90000047  }
0x11e: {  	s0 =	stileid.u32;
	[bflag:$0x2] =	sbarrier.arrive $0xFFFF  }
0x11f: {  	p0 =	sne.s32 s0, $0x0;
	s0 =	rddreg [dreg:$0x3]  }
0x120: {  	s0 =	sadd.s32 @!p0 $0x100000, s0  }
0x121: {  	[sflag:s0] =	ssyncadd.tile.s32 @!p0 $0x1;
	_ =	shalt  }
.Lfunc_end2:
_tile_overlayer_lowered:
.L_overlay_start_2:
0x122: {  	(tag) =	ssettag $0x2  }
0x123: {  	s0 =	rddreg [dreg:$0x0];
	s2 =	stileid.u32  }
0x124: {  	s1 =	rddreg [dreg:$0x1];
	p0 =	sne.s32 s2, $0x0  }
0x125: {  	s3 =	rddreg [dreg:$0x2];
	[bflag:$0x3] =	sbarrier.arrive $0xFFFF;
	s2 =	simm.s32 @!p0 $0x1C05  }
0x126: {  	[timem:s3], [sflag:s2] =	dma.local @!p0 [hbm:s0], s1  }
0x127: {  	s0 =	simm.s32 @!p0 $0x5  }
0x128: {  	_ =	swait.ge @!p0 [sflag:s0], s1  }
0x129: {  	s1 =	ssub.s32 @!p0 $0x0, s1;
	[sflag:s0] =	ssyncset.done @!p0 $0x0  }
0x12a: {  	[sflag:s0] =	ssyncadd.s32 @!p0 s1  }
0x12b: {  	[bflag:$0x3] =	sbarrier.arrive $0xFFFF  }
0x12c: {  	_ =	shalt  }

</sc_bundles>
